<compile_context>
chip_gen: v7x
topology: tpu7x:2x2x1
jax: 0.10.2.dev20260603
libtpu: 0.0.44.dev20260713+nightly
codegen_flags: <defaults>
</compile_context>

<pallas_src>
import functools

import jax
import jax.numpy as jnp
from jax import lax
from jax.experimental import pallas as pl
from jax.experimental.pallas import tpu as pltpu
from jax.experimental.pallas import tpu_sc as plsc


CHUNK = 128


def _dot(a, b):
    return jnp.dot(a, b, preferred_element_type=jnp.float32)




def _entry_body(x_ref, w_in_ref, b_in_ref, wm_ref, bm_ref, state_ref, msg_ref):
    state = jax.nn.relu(_dot(x_ref[...], w_in_ref[...]) + b_in_ref[...])
    state_ref[...] = state
    msg_ref[...] = jax.nn.relu(_dot(state, wm_ref[...]) + bm_ref[...])


def _round_body(p0_ref, p1_ref, state_ref, wu_ref, bu_ref, wm_ref, bm_ref,
                new_state_ref, msg_ref):
    agg = p0_ref[...] + p1_ref[...]
    state = state_ref[...] + jax.nn.relu(_dot(agg, wu_ref[...]) + bu_ref[...])
    new_state_ref[...] = state
    msg_ref[...] = jax.nn.relu(_dot(state, wm_ref[...]) + bm_ref[...])


def _final_body(p0_ref, p1_ref, state_ref, wu_ref, bu_ref,
                wmu_ref, bmu_ref, wlv_ref, blv_ref, mu_ref, lv_ref):
    agg = p0_ref[...] + p1_ref[...]
    state = state_ref[...] + jax.nn.relu(_dot(agg, wu_ref[...]) + bu_ref[...])
    mu_ref[...] = _dot(state, wmu_ref[...]) + bmu_ref[...]
    lv_ref[...] = _dot(state, wlv_ref[...]) + blv_ref[...]


def _row_block(n_rows, d, block_rows):
    return pl.BlockSpec((block_rows, d), lambda i: (i, 0))


def _full_block(shape):
    return pl.BlockSpec(shape, lambda i: tuple(0 for _ in shape))


def _make_tc_call(body, n, block_rows, in_shapes, out_shapes):
    def spec(s):
        if s[0] == "rows":
            return _row_block(n, s[1], block_rows)
        return _full_block(s)

    grid = (n // block_rows,)
    return pl.pallas_call(
        body,
        grid=grid,
        in_specs=[spec(s) for s in in_shapes],
        out_specs=[spec(s) for s in out_shapes],
        out_shape=[
            jax.ShapeDtypeStruct((n, s[1]) if s[0] == "rows" else s,
                                 jnp.float32)
            for s in out_shapes
        ],
    )




def _make_sc_scatter(n_pad, n_chunks, s_dim):
    cpt = -(-n_chunks // 32)
    rows_per_tile = n_pad // 16
    mesh = plsc.VectorSubcoreMesh(core_axis_name="c", subcore_axis_name="s")

    @functools.partial(
        pl.kernel,
        mesh=mesh,
        out_type=jax.ShapeDtypeStruct((2, n_pad, s_dim), jnp.float32),
        scratch_types=[
            pltpu.VMEM((CHUNK,), jnp.int32),
            pltpu.VMEM((CHUNK,), jnp.int32),
            pltpu.VMEM((CHUNK, s_dim), jnp.float32),
            pltpu.VMEM_SHARED((n_pad, s_dim), jnp.float32),
            pltpu.SemaphoreType.DMA,
        ],
    )
    def sc_kernel(msg_hbm, src_hbm, dst_hbm, zeros_hbm, out_hbm,
                  idx_s, idx_d, rows, agg_sh, sem):
        cid = lax.axis_index("c")
        sid = lax.axis_index("s")
        wid = sid * 2 + cid

        row0 = sid * rows_per_tile
        pltpu.sync_copy(zeros_hbm.at[pl.ds(row0, rows_per_tile)],
                        agg_sh.at[pl.ds(row0, rows_per_tile)])
        plsc.subcore_barrier()

        def body(j, carry):
            chunk = wid + j * 32

            @pl.when(chunk < n_chunks)
            def _():
                base = chunk * CHUNK
                pltpu.sync_copy(src_hbm.at[pl.ds(base, CHUNK)], idx_s)
                pltpu.sync_copy(dst_hbm.at[pl.ds(base, CHUNK)], idx_d)
                pltpu.async_copy(msg_hbm.at[idx_s], rows, sem).wait()
                pltpu.sync_copy(rows, agg_sh.at[idx_d], add=True)

            return carry

        lax.fori_loop(0, cpt, body, 0)
        plsc.subcore_barrier()

        pltpu.sync_copy(agg_sh.at[pl.ds(row0, rows_per_tile)],
                        out_hbm.at[cid, pl.ds(row0, rows_per_tile)])

    return sc_kernel




def kernel(x, edge_index, W_in, b_in, Wm, bm, Wu, bu, W_mu, b_mu, W_lv, b_lv):
    n, d = x.shape
    s_dim = W_in.shape[1]
    l_dim = W_mu.shape[1]
    r_rounds = Wm.shape[0]
    e = edge_index.shape[1]

    src = edge_index[0].astype(jnp.int32)
    dst = edge_index[1].astype(jnp.int32)

    n_pad = -(-n // 128) * 128

    n_chunks = -(-e // CHUNK)
    e_pad = n_chunks * CHUNK
    src = jnp.pad(src, (0, e_pad - e))
    pad_dst = n + jnp.arange(e_pad - e, dtype=jnp.int32) % (n_pad - n)
    dst = jnp.concatenate([dst, pad_dst])
    zeros = jnp.zeros((n_pad, s_dim), jnp.float32)

    block_rows = 1000
    assert n % block_rows == 0 and n < n_pad

    b_in2 = b_in.reshape(1, -1)
    bm2 = bm.reshape(r_rounds, 1, -1)
    bu2 = bu.reshape(r_rounds, 1, -1)
    b_mu2 = b_mu.reshape(1, -1)
    b_lv2 = b_lv.reshape(1, -1)

    rows = ("rows", s_dim)
    wss = (s_dim, s_dim)
    bs = (1, s_dim)

    entry = _make_tc_call(
        _entry_body, n, block_rows,
        [("rows", d), (d, s_dim), bs, wss, bs], [rows, rows])
    round_call = _make_tc_call(
        _round_body, n, block_rows,
        [rows, rows, rows, wss, bs, wss, bs], [rows, rows])
    final_call = _make_tc_call(
        _final_body, n, block_rows,
        [rows, rows, rows, wss, bs, (s_dim, l_dim), (1, l_dim),
         (s_dim, l_dim), (1, l_dim)],
        [("rows", l_dim), ("rows", l_dim)])
    sc_scatter = _make_sc_scatter(n_pad, n_chunks, s_dim)

    state, msg = entry(x, W_in, b_in2, Wm[0], bm2[0])
    for r in range(r_rounds):
        parts = sc_scatter(msg, src, dst, zeros)
        if r + 1 < r_rounds:
            state, msg = round_call(parts[0], parts[1], state,
                                    Wu[r], bu2[r], Wm[r + 1], bm2[r + 1])
        else:
            mu, logvar = final_call(parts[0], parts[1], state,
                                    Wu[r], bu2[r], W_mu, b_mu2, W_lv, b_lv2)
    return (mu, logvar)

# --- scband reference (transcript-rebuilt; emitter-appended) ---
"""Pipeline reference for scband-gnnencoder-35905926594603 (READ-ONLY COPY).

The authoritative reference and input builder live on the scoring server;
editing this copy changes nothing except your own understanding.
"""

import jax, jax.numpy as jnp
import numpy as np

N = 10000
E = 320000
D = 128
S = 128
L = 64
R = 3


def setup_inputs(seed: int = 0) -> dict:
    key = jax.random.key(seed)
    ks = jax.random.split(key, 14)
    x = jax.random.normal(ks[0], (N, D), dtype=jnp.float32)
    edge_index = jax.random.randint(ks[1], (2, E), 0, N)
    sc = 0.05
    W_in = jax.random.normal(ks[2], (D, S), dtype=jnp.float32) * sc
    b_in = jnp.zeros((S,), dtype=jnp.float32)
    Wm = jax.random.normal(ks[3], (R, S, S), dtype=jnp.float32) * sc
    bm = jnp.zeros((R, S), dtype=jnp.float32)
    Wu = jax.random.normal(ks[4], (R, S, S), dtype=jnp.float32) * sc
    bu = jnp.zeros((R, S), dtype=jnp.float32)
    W_mu = jax.random.normal(ks[5], (S, L), dtype=jnp.float32) * sc
    b_mu = jnp.zeros((L,), dtype=jnp.float32)
    W_lv = jax.random.normal(ks[6], (S, L), dtype=jnp.float32) * sc
    b_lv = jnp.zeros((L,), dtype=jnp.float32)
    return {"x": x, "edge_index": edge_index, "W_in": W_in, "b_in": b_in,
            "Wm": Wm, "bm": bm, "Wu": Wu, "bu": bu,
            "W_mu": W_mu, "b_mu": b_mu, "W_lv": W_lv, "b_lv": b_lv}


def reference(x, edge_index, W_in, b_in, Wm, bm, Wu, bu, W_mu, b_mu, W_lv, b_lv):
    num_nodes = x.shape[0]
    state = jax.nn.relu(x @ W_in + b_in)
    src = edge_index[0]
    dst = edge_index[1]
    for r in range(R):
        message = jax.nn.relu(state @ Wm[r] + bm[r])
        gathered = jnp.take(message, src, axis=0)
        agg = jnp.zeros((num_nodes, S), dtype=x.dtype).at[dst].add(gathered)
        state = state + jax.nn.relu(agg @ Wu[r] + bu[r])
    mu = state @ W_mu + b_mu
    logvar = state @ W_lv + b_lv
    return (mu, logvar)

if __name__ == "__main__":
    import jax
    _d = setup_inputs()
    print(jax.jit(kernel)(*tuple(_d.values())))

</pallas_src>

<mosaic_0001>
#map = affine_map<(d0, d1) -> (0, 0)>
#map1 = affine_map<(d0, d1) -> (0)>
#map2 = affine_map<(d0, d1) -> (0, 0, 0)>
module attributes {stable_mosaic.version = 14 : i64} {
  func.func @sc_kernel(%arg0: i32, %arg1: i32, %arg2: memref<10000x128xf32, #tpu.memory_space<hbm>>, %arg3: memref<320000xi32, #tpu.memory_space<hbm>>, %arg4: memref<320000xi32, #tpu.memory_space<hbm>>, %arg5: memref<10112x128xf32, #tpu.memory_space<hbm>>, %arg6: memref<2x10112x128xf32, #tpu.memory_space<hbm>>, %arg7: memref<128xi32, #tpu.memory_space<vmem>>, %arg8: memref<128xi32, #tpu.memory_space<vmem>>, %arg9: memref<128x128xf32, #tpu.memory_space<vmem>>, %arg10: memref<10112x128xf32, #tpu.memory_space<vmem_shared>>, %arg11: memref<!tpu.dma_semaphore, #tpu.memory_space<semaphore_mem>>) attributes {dimension_semantics = [#tpu.dimension_semantics<core_parallel>, #tpu.dimension_semantics<subcore_parallel>], iteration_bounds = array<i64: 2, 16>, scalar_prefetch = 0 : i64, scratch_operands = 5 : i64, tpu.core_type = #tpu.core_type<sc_vector_subcore>, window_params = [{transform_indices = #map}, {transform_indices = #map1}, {transform_indices = #map1}, {transform_indices = #map}, {transform_indices = #map2}]} {
    %mul3A = arith.constant 2 : i32
    %mul3A_0 = arith.muli %arg1, %mul3A : i32
    %add3A = arith.addi %mul3A_0, %arg0 : i32
    %mul3A_1 = arith.constant 632 : i32
    %mul3A_2 = arith.muli %arg1, %mul3A_1 : i32
    "tpu.region"() ({
      %run_scoped3A = tpu.sem_alloc : memref<!tpu.dma_semaphore, #tpu.memory_space<semaphore_mem>>
      %dma_start3A = arith.constant 0 : i32
      %dma_start3A_9 = tpu.memref_slice %arg10[%mul3A_2, %dma_start3A] : memref<10112x128xf32, #tpu.memory_space<vmem_shared>> -> memref<632x128xf32, #tpu.memory_space<vmem_shared>>
      %dma_start3A_10 = arith.constant 0 : i32
      %dma_start3A_11 = tpu.memref_slice %arg5[%mul3A_2, %dma_start3A_10] : memref<10112x128xf32, #tpu.memory_space<hbm>> -> memref<632x128xf32, #tpu.memory_space<hbm>>
      tpu.enqueue_dma source(%dma_start3A_11 : memref<632x128xf32, #tpu.memory_space<hbm>>) target(%dma_start3A_9 : memref<632x128xf32, #tpu.memory_space<vmem_shared>>) target_semaphore(%run_scoped3A : memref<!tpu.dma_semaphore, #tpu.memory_space<semaphore_mem>>)
      %dma_wait3A = arith.constant 0 : i32
      %dma_wait3A_12 = tpu.memref_slice %arg10[%mul3A_2, %dma_wait3A] : memref<10112x128xf32, #tpu.memory_space<vmem_shared>> -> memref<632x128xf32, #tpu.memory_space<vmem_shared>>
      %dma_wait3A_13 = arith.constant 0 : i32
      %dma_wait3A_14 = tpu.memref_slice %arg5[%mul3A_2, %dma_wait3A_13] : memref<10112x128xf32, #tpu.memory_space<hbm>> -> memref<632x128xf32, #tpu.memory_space<hbm>>
      tpu.wait_dma2 semaphore(%run_scoped3A : memref<!tpu.dma_semaphore, #tpu.memory_space<semaphore_mem>>) src(%dma_wait3A_14 : memref<632x128xf32, #tpu.memory_space<hbm>>) dst(%dma_wait3A_12 : memref<632x128xf32, #tpu.memory_space<vmem_shared>>)
      tpu.yield
    }) : () -> ()
    %barrier3A = arith.constant 0 : index
    tpu.barrier barrier_id(%barrier3A)
    %scan3A = arith.constant 0 : i32
    %scan3A_3 = arith.constant 0 : i32
    %scan3A_4 = arith.constant 79 : i32
    %scan3A_5 = arith.addi %scan3A_3, %scan3A_4 : i32
    %scan3A_6 = arith.constant 1 : i32
    scf.for %scan3A_9 = %scan3A_3 to %scan3A_5 step %scan3A_6  : i32 {
      %mul3A_10 = arith.constant 32 : i32
      %mul3A_11 = arith.muli %scan3A_9, %mul3A_10 : i32
      %add3A_12 = arith.addi %add3A, %mul3A_11 : i32
      %lt3A = arith.constant 2500 : i32
      %lt3A_13 = arith.cmpi slt, %add3A_12, %lt3A : i32
      %convert_element_type3A = arith.extui %lt3A_13 : i1 to i32
      %cond3A = arith.constant 0 : i32
      %cond3A_14 = arith.cmpi ne, %convert_element_type3A, %cond3A : i32
      scf.if %cond3A_14 {
        %mul3A_15 = arith.constant 128 : i32
        %mul3A_16 = arith.muli %add3A_12, %mul3A_15 : i32
        "tpu.region"() ({
          %run_scoped3A = tpu.sem_alloc : memref<!tpu.dma_semaphore, #tpu.memory_space<semaphore_mem>>
          %dma_start3A_21 = tpu.memref_slice %arg3[%mul3A_16] : memref<320000xi32, #tpu.memory_space<hbm>> -> memref<128xi32, #tpu.memory_space<hbm>>
          %dma_start3A_22 = tpu.memref_slice %arg3[%mul3A_16] : memref<320000xi32, #tpu.memory_space<hbm>> -> memref<128xi32, #tpu.memory_space<hbm>>
          tpu.enqueue_dma source(%dma_start3A_22 : memref<128xi32, #tpu.memory_space<hbm>>) target(%arg7 : memref<128xi32, #tpu.memory_space<vmem>>) target_semaphore(%run_scoped3A : memref<!tpu.dma_semaphore, #tpu.memory_space<semaphore_mem>>)
          %dma_wait3A_23 = tpu.memref_slice %arg3[%mul3A_16] : memref<320000xi32, #tpu.memory_space<hbm>> -> memref<128xi32, #tpu.memory_space<hbm>>
          %dma_wait3A_24 = tpu.memref_slice %arg3[%mul3A_16] : memref<320000xi32, #tpu.memory_space<hbm>> -> memref<128xi32, #tpu.memory_space<hbm>>
          tpu.wait_dma2 semaphore(%run_scoped3A : memref<!tpu.dma_semaphore, #tpu.memory_space<semaphore_mem>>) src(%dma_wait3A_24 : memref<128xi32, #tpu.memory_space<hbm>>) dst(%arg7 : memref<128xi32, #tpu.memory_space<vmem>>)
          tpu.yield
        }) : () -> ()
        "tpu.region"() ({
          %run_scoped3A = tpu.sem_alloc : memref<!tpu.dma_semaphore, #tpu.memory_space<semaphore_mem>>
          %dma_start3A_21 = tpu.memref_slice %arg4[%mul3A_16] : memref<320000xi32, #tpu.memory_space<hbm>> -> memref<128xi32, #tpu.memory_space<hbm>>
          %dma_start3A_22 = tpu.memref_slice %arg4[%mul3A_16] : memref<320000xi32, #tpu.memory_space<hbm>> -> memref<128xi32, #tpu.memory_space<hbm>>
          tpu.enqueue_dma source(%dma_start3A_22 : memref<128xi32, #tpu.memory_space<hbm>>) target(%arg8 : memref<128xi32, #tpu.memory_space<vmem>>) target_semaphore(%run_scoped3A : memref<!tpu.dma_semaphore, #tpu.memory_space<semaphore_mem>>)
          %dma_wait3A_23 = tpu.memref_slice %arg4[%mul3A_16] : memref<320000xi32, #tpu.memory_space<hbm>> -> memref<128xi32, #tpu.memory_space<hbm>>
          %dma_wait3A_24 = tpu.memref_slice %arg4[%mul3A_16] : memref<320000xi32, #tpu.memory_space<hbm>> -> memref<128xi32, #tpu.memory_space<hbm>>
          tpu.wait_dma2 semaphore(%run_scoped3A : memref<!tpu.dma_semaphore, #tpu.memory_space<semaphore_mem>>) src(%dma_wait3A_24 : memref<128xi32, #tpu.memory_space<hbm>>) dst(%arg8 : memref<128xi32, #tpu.memory_space<vmem>>)
          tpu.yield
        }) : () -> ()
        %dma_start3A = arith.constant 0 : i32
        %dma_start3A_17 = arith.constant 0 : i32
        %dma_start3A_18 = tpu.memref_slice %arg2[%dma_start3A, %dma_start3A_17] : memref<10000x128xf32, #tpu.memory_space<hbm>> -> memref<10000x128xf32, #tpu.memory_space<hbm>>
        tpu.enqueue_indirect_dma source(%dma_start3A_18 : memref<10000x128xf32, #tpu.memory_space<hbm>>) target(%arg9 : memref<128x128xf32, #tpu.memory_space<vmem>>) offsets(%arg7 : memref<128xi32, #tpu.memory_space<vmem>>) semaphore(%arg11 : memref<!tpu.dma_semaphore, #tpu.memory_space<semaphore_mem>>)
        %dma_wait3A = arith.constant 0 : i32
        %dma_wait3A_19 = arith.constant 0 : i32
        %dma_wait3A_20 = tpu.memref_slice %arg2[%dma_wait3A, %dma_wait3A_19] : memref<10000x128xf32, #tpu.memory_space<hbm>> -> memref<10000x128xf32, #tpu.memory_space<hbm>>
        tpu.wait_indirect_dma semaphore(%arg11 : memref<!tpu.dma_semaphore, #tpu.memory_space<semaphore_mem>>) src(%dma_wait3A_20 : memref<10000x128xf32, #tpu.memory_space<hbm>>) dst(%arg9 : memref<128x128xf32, #tpu.memory_space<vmem>>)
        "tpu.region"() ({
          %run_scoped3A = tpu.sem_alloc : memref<!tpu.dma_semaphore, #tpu.memory_space<semaphore_mem>>
          %dma_start3A_21 = arith.constant 0 : i32
          %dma_start3A_22 = arith.constant 0 : i32
          %dma_start3A_23 = tpu.memref_slice %arg10[%dma_start3A_21, %dma_start3A_22] : memref<10112x128xf32, #tpu.memory_space<vmem_shared>> -> memref<10112x128xf32, #tpu.memory_space<vmem_shared>>
          tpu.enqueue_indirect_dma source(%arg9 : memref<128x128xf32, #tpu.memory_space<vmem>>) target(%dma_start3A_23 : memref<10112x128xf32, #tpu.memory_space<vmem_shared>>) offsets(%arg8 : memref<128xi32, #tpu.memory_space<vmem>>) semaphore(%run_scoped3A : memref<!tpu.dma_semaphore, #tpu.memory_space<semaphore_mem>>) {add = true}
          %dma_wait3A_24 = arith.constant 0 : i32
          %dma_wait3A_25 = arith.constant 0 : i32
          %dma_wait3A_26 = tpu.memref_slice %arg10[%dma_wait3A_24, %dma_wait3A_25] : memref<10112x128xf32, #tpu.memory_space<vmem_shared>> -> memref<10112x128xf32, #tpu.memory_space<vmem_shared>>
          tpu.wait_indirect_dma semaphore(%run_scoped3A : memref<!tpu.dma_semaphore, #tpu.memory_space<semaphore_mem>>) src(%arg9 : memref<128x128xf32, #tpu.memory_space<vmem>>) dst(%dma_wait3A_26 : memref<10112x128xf32, #tpu.memory_space<vmem_shared>>)
          tpu.yield
        }) : () -> ()
      } else {
      }
    }
    %scan3A_7 = arith.constant 79 : i32
    %barrier3A_8 = arith.constant 0 : index
    tpu.barrier barrier_id(%barrier3A_8)
    "tpu.region"() ({
      %run_scoped3A = tpu.sem_alloc : memref<!tpu.dma_semaphore, #tpu.memory_space<semaphore_mem>>
      %dma_start3A = arith.constant 0 : i32
      %dma_start3A_9 = tpu.memref_slice %arg6[%arg0, %mul3A_2, %dma_start3A] : memref<2x10112x128xf32, #tpu.memory_space<hbm>> -> memref<1x632x128xf32, #tpu.memory_space<hbm>>
      %dma_start3A_10 = tpu.memref_squeeze %dma_start3A_9 : memref<1x632x128xf32, #tpu.memory_space<hbm>> -> memref<632x128xf32, #tpu.memory_space<hbm>>
      %dma_start3A_11 = arith.constant 0 : i32
      %dma_start3A_12 = tpu.memref_slice %arg10[%mul3A_2, %dma_start3A_11] : memref<10112x128xf32, #tpu.memory_space<vmem_shared>> -> memref<632x128xf32, #tpu.memory_space<vmem_shared>>
      tpu.enqueue_dma source(%dma_start3A_12 : memref<632x128xf32, #tpu.memory_space<vmem_shared>>) target(%dma_start3A_10 : memref<632x128xf32, #tpu.memory_space<hbm>>) target_semaphore(%run_scoped3A : memref<!tpu.dma_semaphore, #tpu.memory_space<semaphore_mem>>)
      %dma_wait3A = arith.constant 0 : i32
      %dma_wait3A_13 = tpu.memref_slice %arg6[%arg0, %mul3A_2, %dma_wait3A] : memref<2x10112x128xf32, #tpu.memory_space<hbm>> -> memref<1x632x128xf32, #tpu.memory_space<hbm>>
      %dma_wait3A_14 = tpu.memref_squeeze %dma_wait3A_13 : memref<1x632x128xf32, #tpu.memory_space<hbm>> -> memref<632x128xf32, #tpu.memory_space<hbm>>
      %dma_wait3A_15 = arith.constant 0 : i32
      %dma_wait3A_16 = tpu.memref_slice %arg10[%mul3A_2, %dma_wait3A_15] : memref<10112x128xf32, #tpu.memory_space<vmem_shared>> -> memref<632x128xf32, #tpu.memory_space<vmem_shared>>
      tpu.wait_dma2 semaphore(%run_scoped3A : memref<!tpu.dma_semaphore, #tpu.memory_space<semaphore_mem>>) src(%dma_wait3A_16 : memref<632x128xf32, #tpu.memory_space<vmem_shared>>) dst(%dma_wait3A_14 : memref<632x128xf32, #tpu.memory_space<hbm>>)
      tpu.yield
    }) : () -> ()
    return
  }
}

#map = affine_map<(d0, d1) -> (0, 0)>
#map1 = affine_map<(d0, d1) -> (0)>
#map2 = affine_map<(d0, d1) -> (0, 0, 0)>
module attributes {stable_mosaic.version = 14 : i64} {
  func.func @sc_kernel(%arg0: i32, %arg1: i32, %arg2: memref<10000x128xf32, #tpu.memory_space<hbm>>, %arg3: memref<320000xi32, #tpu.memory_space<hbm>>, %arg4: memref<320000xi32, #tpu.memory_space<hbm>>, %arg5: memref<10112x128xf32, #tpu.memory_space<hbm>>, %arg6: memref<2x10112x128xf32, #tpu.memory_space<hbm>>, %arg7: memref<128xi32, #tpu.memory_space<vmem>>, %arg8: memref<128xi32, #tpu.memory_space<vmem>>, %arg9: memref<128x128xf32, #tpu.memory_space<vmem>>, %arg10: memref<10112x128xf32, #tpu.memory_space<vmem_shared>>, %arg11: memref<!tpu.dma_semaphore, #tpu.memory_space<semaphore_mem>>) attributes {dimension_semantics = [#tpu.dimension_semantics<core_parallel>, #tpu.dimension_semantics<subcore_parallel>], iteration_bounds = array<i64: 2, 16>, scalar_prefetch = 0 : i64, scratch_operands = 5 : i64, tpu.core_type = #tpu.core_type<sc_vector_subcore>, window_params = [{transform_indices = #map}, {transform_indices = #map1}, {transform_indices = #map1}, {transform_indices = #map}, {transform_indices = #map2}]} {
    %mul3A = arith.constant 2 : i32
    %mul3A_0 = arith.muli %arg1, %mul3A : i32
    %add3A = arith.addi %mul3A_0, %arg0 : i32
    %mul3A_1 = arith.constant 632 : i32
    %mul3A_2 = arith.muli %arg1, %mul3A_1 : i32
    "tpu.region"() ({
      %run_scoped3A = tpu.sem_alloc : memref<!tpu.dma_semaphore, #tpu.memory_space<semaphore_mem>>
      %dma_start3A = arith.constant 0 : i32
      %dma_start3A_9 = tpu.memref_slice %arg10[%mul3A_2, %dma_start3A] : memref<10112x128xf32, #tpu.memory_space<vmem_shared>> -> memref<632x128xf32, #tpu.memory_space<vmem_shared>>
      %dma_start3A_10 = arith.constant 0 : i32
      %dma_start3A_11 = tpu.memref_slice %arg5[%mul3A_2, %dma_start3A_10] : memref<10112x128xf32, #tpu.memory_space<hbm>> -> memref<632x128xf32, #tpu.memory_space<hbm>>
      tpu.enqueue_dma source(%dma_start3A_11 : memref<632x128xf32, #tpu.memory_space<hbm>>) target(%dma_start3A_9 : memref<632x128xf32, #tpu.memory_space<vmem_shared>>) target_semaphore(%run_scoped3A : memref<!tpu.dma_semaphore, #tpu.memory_space<semaphore_mem>>)
      %dma_wait3A = arith.constant 0 : i32
      %dma_wait3A_12 = tpu.memref_slice %arg10[%mul3A_2, %dma_wait3A] : memref<10112x128xf32, #tpu.memory_space<vmem_shared>> -> memref<632x128xf32, #tpu.memory_space<vmem_shared>>
      %dma_wait3A_13 = arith.constant 0 : i32
      %dma_wait3A_14 = tpu.memref_slice %arg5[%mul3A_2, %dma_wait3A_13] : memref<10112x128xf32, #tpu.memory_space<hbm>> -> memref<632x128xf32, #tpu.memory_space<hbm>>
      tpu.wait_dma2 semaphore(%run_scoped3A : memref<!tpu.dma_semaphore, #tpu.memory_space<semaphore_mem>>) src(%dma_wait3A_14 : memref<632x128xf32, #tpu.memory_space<hbm>>) dst(%dma_wait3A_12 : memref<632x128xf32, #tpu.memory_space<vmem_shared>>)
      tpu.yield
    }) : () -> ()
    %barrier3A = arith.constant 0 : index
    tpu.barrier barrier_id(%barrier3A)
    %scan3A = arith.constant 0 : i32
    %scan3A_3 = arith.constant 0 : i32
    %scan3A_4 = arith.constant 79 : i32
    %scan3A_5 = arith.addi %scan3A_3, %scan3A_4 : i32
    %scan3A_6 = arith.constant 1 : i32
    scf.for %scan3A_9 = %scan3A_3 to %scan3A_5 step %scan3A_6  : i32 {
      %mul3A_10 = arith.constant 32 : i32
      %mul3A_11 = arith.muli %scan3A_9, %mul3A_10 : i32
      %add3A_12 = arith.addi %add3A, %mul3A_11 : i32
      %lt3A = arith.constant 2500 : i32
      %lt3A_13 = arith.cmpi slt, %add3A_12, %lt3A : i32
      %convert_element_type3A = arith.extui %lt3A_13 : i1 to i32
      %cond3A = arith.constant 0 : i32
      %cond3A_14 = arith.cmpi ne, %convert_element_type3A, %cond3A : i32
      scf.if %cond3A_14 {
        %mul3A_15 = arith.constant 128 : i32
        %mul3A_16 = arith.muli %add3A_12, %mul3A_15 : i32
        "tpu.region"() ({
          %run_scoped3A = tpu.sem_alloc : memref<!tpu.dma_semaphore, #tpu.memory_space<semaphore_mem>>
          %dma_start3A_21 = tpu.memref_slice %arg3[%mul3A_16] : memref<320000xi32, #tpu.memory_space<hbm>> -> memref<128xi32, #tpu.memory_space<hbm>>
          %dma_start3A_22 = tpu.memref_slice %arg3[%mul3A_16] : memref<320000xi32, #tpu.memory_space<hbm>> -> memref<128xi32, #tpu.memory_space<hbm>>
          tpu.enqueue_dma source(%dma_start3A_22 : memref<128xi32, #tpu.memory_space<hbm>>) target(%arg7 : memref<128xi32, #tpu.memory_space<vmem>>) target_semaphore(%run_scoped3A : memref<!tpu.dma_semaphore, #tpu.memory_space<semaphore_mem>>)
          %dma_wait3A_23 = tpu.memref_slice %arg3[%mul3A_16] : memref<320000xi32, #tpu.memory_space<hbm>> -> memref<128xi32, #tpu.memory_space<hbm>>
          %dma_wait3A_24 = tpu.memref_slice %arg3[%mul3A_16] : memref<320000xi32, #tpu.memory_space<hbm>> -> memref<128xi32, #tpu.memory_space<hbm>>
          tpu.wait_dma2 semaphore(%run_scoped3A : memref<!tpu.dma_semaphore, #tpu.memory_space<semaphore_mem>>) src(%dma_wait3A_24 : memref<128xi32, #tpu.memory_space<hbm>>) dst(%arg7 : memref<128xi32, #tpu.memory_space<vmem>>)
          tpu.yield
        }) : () -> ()
        "tpu.region"() ({
          %run_scoped3A = tpu.sem_alloc : memref<!tpu.dma_semaphore, #tpu.memory_space<semaphore_mem>>
          %dma_start3A_21 = tpu.memref_slice %arg4[%mul3A_16] : memref<320000xi32, #tpu.memory_space<hbm>> -> memref<128xi32, #tpu.memory_space<hbm>>
          %dma_start3A_22 = tpu.memref_slice %arg4[%mul3A_16] : memref<320000xi32, #tpu.memory_space<hbm>> -> memref<128xi32, #tpu.memory_space<hbm>>
          tpu.enqueue_dma source(%dma_start3A_22 : memref<128xi32, #tpu.memory_space<hbm>>) target(%arg8 : memref<128xi32, #tpu.memory_space<vmem>>) target_semaphore(%run_scoped3A : memref<!tpu.dma_semaphore, #tpu.memory_space<semaphore_mem>>)
          %dma_wait3A_23 = tpu.memref_slice %arg4[%mul3A_16] : memref<320000xi32, #tpu.memory_space<hbm>> -> memref<128xi32, #tpu.memory_space<hbm>>
          %dma_wait3A_24 = tpu.memref_slice %arg4[%mul3A_16] : memref<320000xi32, #tpu.memory_space<hbm>> -> memref<128xi32, #tpu.memory_space<hbm>>
          tpu.wait_dma2 semaphore(%run_scoped3A : memref<!tpu.dma_semaphore, #tpu.memory_space<semaphore_mem>>) src(%dma_wait3A_24 : memref<128xi32, #tpu.memory_space<hbm>>) dst(%arg8 : memref<128xi32, #tpu.memory_space<vmem>>)
          tpu.yield
        }) : () -> ()
        %dma_start3A = arith.constant 0 : i32
        %dma_start3A_17 = arith.constant 0 : i32
        %dma_start3A_18 = tpu.memref_slice %arg2[%dma_start3A, %dma_start3A_17] : memref<10000x128xf32, #tpu.memory_space<hbm>> -> memref<10000x128xf32, #tpu.memory_space<hbm>>
        tpu.enqueue_indirect_dma source(%dma_start3A_18 : memref<10000x128xf32, #tpu.memory_space<hbm>>) target(%arg9 : memref<128x128xf32, #tpu.memory_space<vmem>>) offsets(%arg7 : memref<128xi32, #tpu.memory_space<vmem>>) semaphore(%arg11 : memref<!tpu.dma_semaphore, #tpu.memory_space<semaphore_mem>>)
        %dma_wait3A = arith.constant 0 : i32
        %dma_wait3A_19 = arith.constant 0 : i32
        %dma_wait3A_20 = tpu.memref_slice %arg2[%dma_wait3A, %dma_wait3A_19] : memref<10000x128xf32, #tpu.memory_space<hbm>> -> memref<10000x128xf32, #tpu.memory_space<hbm>>
        tpu.wait_indirect_dma semaphore(%arg11 : memref<!tpu.dma_semaphore, #tpu.memory_space<semaphore_mem>>) src(%dma_wait3A_20 : memref<10000x128xf32, #tpu.memory_space<hbm>>) dst(%arg9 : memref<128x128xf32, #tpu.memory_space<vmem>>)
        "tpu.region"() ({
          %run_scoped3A = tpu.sem_alloc : memref<!tpu.dma_semaphore, #tpu.memory_space<semaphore_mem>>
          %dma_start3A_21 = arith.constant 0 : i32
          %dma_start3A_22 = arith.constant 0 : i32
          %dma_start3A_23 = tpu.memref_slice %arg10[%dma_start3A_21, %dma_start3A_22] : memref<10112x128xf32, #tpu.memory_space<vmem_shared>> -> memref<10112x128xf32, #tpu.memory_space<vmem_shared>>
          tpu.enqueue_indirect_dma source(%arg9 : memref<128x128xf32, #tpu.memory_space<vmem>>) target(%dma_start3A_23 : memref<10112x128xf32, #tpu.memory_space<vmem_shared>>) offsets(%arg8 : memref<128xi32, #tpu.memory_space<vmem>>) semaphore(%run_scoped3A : memref<!tpu.dma_semaphore, #tpu.memory_space<semaphore_mem>>) {add = true}
          %dma_wait3A_24 = arith.constant 0 : i32
          %dma_wait3A_25 = arith.constant 0 : i32
          %dma_wait3A_26 = tpu.memref_slice %arg10[%dma_wait3A_24, %dma_wait3A_25] : memref<10112x128xf32, #tpu.memory_space<vmem_shared>> -> memref<10112x128xf32, #tpu.memory_space<vmem_shared>>
          tpu.wait_indirect_dma semaphore(%run_scoped3A : memref<!tpu.dma_semaphore, #tpu.memory_space<semaphore_mem>>) src(%arg9 : memref<128x128xf32, #tpu.memory_space<vmem>>) dst(%dma_wait3A_26 : memref<10112x128xf32, #tpu.memory_space<vmem_shared>>)
          tpu.yield
        }) : () -> ()
      } else {
      }
    }
    %scan3A_7 = arith.constant 79 : i32
    %barrier3A_8 = arith.constant 0 : index
    tpu.barrier barrier_id(%barrier3A_8)
    "tpu.region"() ({
      %run_scoped3A = tpu.sem_alloc : memref<!tpu.dma_semaphore, #tpu.memory_space<semaphore_mem>>
      %dma_start3A = arith.constant 0 : i32
      %dma_start3A_9 = tpu.memref_slice %arg6[%arg0, %mul3A_2, %dma_start3A] : memref<2x10112x128xf32, #tpu.memory_space<hbm>> -> memref<1x632x128xf32, #tpu.memory_space<hbm>>
      %dma_start3A_10 = tpu.memref_squeeze %dma_start3A_9 : memref<1x632x128xf32, #tpu.memory_space<hbm>> -> memref<632x128xf32, #tpu.memory_space<hbm>>
      %dma_start3A_11 = arith.constant 0 : i32
      %dma_start3A_12 = tpu.memref_slice %arg10[%mul3A_2, %dma_start3A_11] : memref<10112x128xf32, #tpu.memory_space<vmem_shared>> -> memref<632x128xf32, #tpu.memory_space<vmem_shared>>
      tpu.enqueue_dma source(%dma_start3A_12 : memref<632x128xf32, #tpu.memory_space<vmem_shared>>) target(%dma_start3A_10 : memref<632x128xf32, #tpu.memory_space<hbm>>) target_semaphore(%run_scoped3A : memref<!tpu.dma_semaphore, #tpu.memory_space<semaphore_mem>>)
      %dma_wait3A = arith.constant 0 : i32
      %dma_wait3A_13 = tpu.memref_slice %arg6[%arg0, %mul3A_2, %dma_wait3A] : memref<2x10112x128xf32, #tpu.memory_space<hbm>> -> memref<1x632x128xf32, #tpu.memory_space<hbm>>
      %dma_wait3A_14 = tpu.memref_squeeze %dma_wait3A_13 : memref<1x632x128xf32, #tpu.memory_space<hbm>> -> memref<632x128xf32, #tpu.memory_space<hbm>>
      %dma_wait3A_15 = arith.constant 0 : i32
      %dma_wait3A_16 = tpu.memref_slice %arg10[%mul3A_2, %dma_wait3A_15] : memref<10112x128xf32, #tpu.memory_space<vmem_shared>> -> memref<632x128xf32, #tpu.memory_space<vmem_shared>>
      tpu.wait_dma2 semaphore(%run_scoped3A : memref<!tpu.dma_semaphore, #tpu.memory_space<semaphore_mem>>) src(%dma_wait3A_16 : memref<632x128xf32, #tpu.memory_space<vmem_shared>>) dst(%dma_wait3A_14 : memref<632x128xf32, #tpu.memory_space<hbm>>)
      tpu.yield
    }) : () -> ()
    return
  }
}

#map = affine_map<(d0, d1) -> (0, 0)>
#map1 = affine_map<(d0, d1) -> (0)>
#map2 = affine_map<(d0, d1) -> (0, 0, 0)>
module attributes {stable_mosaic.version = 14 : i64} {
  func.func @sc_kernel(%arg0: i32, %arg1: i32, %arg2: memref<10000x128xf32, #tpu.memory_space<hbm>>, %arg3: memref<320000xi32, #tpu.memory_space<hbm>>, %arg4: memref<320000xi32, #tpu.memory_space<hbm>>, %arg5: memref<10112x128xf32, #tpu.memory_space<hbm>>, %arg6: memref<2x10112x128xf32, #tpu.memory_space<hbm>>, %arg7: memref<128xi32, #tpu.memory_space<vmem>>, %arg8: memref<128xi32, #tpu.memory_space<vmem>>, %arg9: memref<128x128xf32, #tpu.memory_space<vmem>>, %arg10: memref<10112x128xf32, #tpu.memory_space<vmem_shared>>, %arg11: memref<!tpu.dma_semaphore, #tpu.memory_space<semaphore_mem>>) attributes {dimension_semantics = [#tpu.dimension_semantics<core_parallel>, #tpu.dimension_semantics<subcore_parallel>], iteration_bounds = array<i64: 2, 16>, scalar_prefetch = 0 : i64, scratch_operands = 5 : i64, tpu.core_type = #tpu.core_type<sc_vector_subcore>, window_params = [{transform_indices = #map}, {transform_indices = #map1}, {transform_indices = #map1}, {transform_indices = #map}, {transform_indices = #map2}]} {
    %mul3A = arith.constant 2 : i32
    %mul3A_0 = arith.muli %arg1, %mul3A : i32
    %add3A = arith.addi %mul3A_0, %arg0 : i32
    %mul3A_1 = arith.constant 632 : i32
    %mul3A_2 = arith.muli %arg1, %mul3A_1 : i32
    "tpu.region"() ({
      %run_scoped3A = tpu.sem_alloc : memref<!tpu.dma_semaphore, #tpu.memory_space<semaphore_mem>>
      %dma_start3A = arith.constant 0 : i32
      %dma_start3A_9 = tpu.memref_slice %arg10[%mul3A_2, %dma_start3A] : memref<10112x128xf32, #tpu.memory_space<vmem_shared>> -> memref<632x128xf32, #tpu.memory_space<vmem_shared>>
      %dma_start3A_10 = arith.constant 0 : i32
      %dma_start3A_11 = tpu.memref_slice %arg5[%mul3A_2, %dma_start3A_10] : memref<10112x128xf32, #tpu.memory_space<hbm>> -> memref<632x128xf32, #tpu.memory_space<hbm>>
      tpu.enqueue_dma source(%dma_start3A_11 : memref<632x128xf32, #tpu.memory_space<hbm>>) target(%dma_start3A_9 : memref<632x128xf32, #tpu.memory_space<vmem_shared>>) target_semaphore(%run_scoped3A : memref<!tpu.dma_semaphore, #tpu.memory_space<semaphore_mem>>)
      %dma_wait3A = arith.constant 0 : i32
      %dma_wait3A_12 = tpu.memref_slice %arg10[%mul3A_2, %dma_wait3A] : memref<10112x128xf32, #tpu.memory_space<vmem_shared>> -> memref<632x128xf32, #tpu.memory_space<vmem_shared>>
      %dma_wait3A_13 = arith.constant 0 : i32
      %dma_wait3A_14 = tpu.memref_slice %arg5[%mul3A_2, %dma_wait3A_13] : memref<10112x128xf32, #tpu.memory_space<hbm>> -> memref<632x128xf32, #tpu.memory_space<hbm>>
      tpu.wait_dma2 semaphore(%run_scoped3A : memref<!tpu.dma_semaphore, #tpu.memory_space<semaphore_mem>>) src(%dma_wait3A_14 : memref<632x128xf32, #tpu.memory_space<hbm>>) dst(%dma_wait3A_12 : memref<632x128xf32, #tpu.memory_space<vmem_shared>>)
      tpu.yield
    }) : () -> ()
    %barrier3A = arith.constant 0 : index
    tpu.barrier barrier_id(%barrier3A)
    %scan3A = arith.constant 0 : i32
    %scan3A_3 = arith.constant 0 : i32
    %scan3A_4 = arith.constant 79 : i32
    %scan3A_5 = arith.addi %scan3A_3, %scan3A_4 : i32
    %scan3A_6 = arith.constant 1 : i32
    scf.for %scan3A_9 = %scan3A_3 to %scan3A_5 step %scan3A_6  : i32 {
      %mul3A_10 = arith.constant 32 : i32
      %mul3A_11 = arith.muli %scan3A_9, %mul3A_10 : i32
      %add3A_12 = arith.addi %add3A, %mul3A_11 : i32
      %lt3A = arith.constant 2500 : i32
      %lt3A_13 = arith.cmpi slt, %add3A_12, %lt3A : i32
      %convert_element_type3A = arith.extui %lt3A_13 : i1 to i32
      %cond3A = arith.constant 0 : i32
      %cond3A_14 = arith.cmpi ne, %convert_element_type3A, %cond3A : i32
      scf.if %cond3A_14 {
        %mul3A_15 = arith.constant 128 : i32
        %mul3A_16 = arith.muli %add3A_12, %mul3A_15 : i32
        "tpu.region"() ({
          %run_scoped3A = tpu.sem_alloc : memref<!tpu.dma_semaphore, #tpu.memory_space<semaphore_mem>>
          %dma_start3A_21 = tpu.memref_slice %arg3[%mul3A_16] : memref<320000xi32, #tpu.memory_space<hbm>> -> memref<128xi32, #tpu.memory_space<hbm>>
          %dma_start3A_22 = tpu.memref_slice %arg3[%mul3A_16] : memref<320000xi32, #tpu.memory_space<hbm>> -> memref<128xi32, #tpu.memory_space<hbm>>
          tpu.enqueue_dma source(%dma_start3A_22 : memref<128xi32, #tpu.memory_space<hbm>>) target(%arg7 : memref<128xi32, #tpu.memory_space<vmem>>) target_semaphore(%run_scoped3A : memref<!tpu.dma_semaphore, #tpu.memory_space<semaphore_mem>>)
          %dma_wait3A_23 = tpu.memref_slice %arg3[%mul3A_16] : memref<320000xi32, #tpu.memory_space<hbm>> -> memref<128xi32, #tpu.memory_space<hbm>>
          %dma_wait3A_24 = tpu.memref_slice %arg3[%mul3A_16] : memref<320000xi32, #tpu.memory_space<hbm>> -> memref<128xi32, #tpu.memory_space<hbm>>
          tpu.wait_dma2 semaphore(%run_scoped3A : memref<!tpu.dma_semaphore, #tpu.memory_space<semaphore_mem>>) src(%dma_wait3A_24 : memref<128xi32, #tpu.memory_space<hbm>>) dst(%arg7 : memref<128xi32, #tpu.memory_space<vmem>>)
          tpu.yield
        }) : () -> ()
        "tpu.region"() ({
          %run_scoped3A = tpu.sem_alloc : memref<!tpu.dma_semaphore, #tpu.memory_space<semaphore_mem>>
          %dma_start3A_21 = tpu.memref_slice %arg4[%mul3A_16] : memref<320000xi32, #tpu.memory_space<hbm>> -> memref<128xi32, #tpu.memory_space<hbm>>
          %dma_start3A_22 = tpu.memref_slice %arg4[%mul3A_16] : memref<320000xi32, #tpu.memory_space<hbm>> -> memref<128xi32, #tpu.memory_space<hbm>>
          tpu.enqueue_dma source(%dma_start3A_22 : memref<128xi32, #tpu.memory_space<hbm>>) target(%arg8 : memref<128xi32, #tpu.memory_space<vmem>>) target_semaphore(%run_scoped3A : memref<!tpu.dma_semaphore, #tpu.memory_space<semaphore_mem>>)
          %dma_wait3A_23 = tpu.memref_slice %arg4[%mul3A_16] : memref<320000xi32, #tpu.memory_space<hbm>> -> memref<128xi32, #tpu.memory_space<hbm>>
          %dma_wait3A_24 = tpu.memref_slice %arg4[%mul3A_16] : memref<320000xi32, #tpu.memory_space<hbm>> -> memref<128xi32, #tpu.memory_space<hbm>>
          tpu.wait_dma2 semaphore(%run_scoped3A : memref<!tpu.dma_semaphore, #tpu.memory_space<semaphore_mem>>) src(%dma_wait3A_24 : memref<128xi32, #tpu.memory_space<hbm>>) dst(%arg8 : memref<128xi32, #tpu.memory_space<vmem>>)
          tpu.yield
        }) : () -> ()
        %dma_start3A = arith.constant 0 : i32
        %dma_start3A_17 = arith.constant 0 : i32
        %dma_start3A_18 = tpu.memref_slice %arg2[%dma_start3A, %dma_start3A_17] : memref<10000x128xf32, #tpu.memory_space<hbm>> -> memref<10000x128xf32, #tpu.memory_space<hbm>>
        tpu.enqueue_indirect_dma source(%dma_start3A_18 : memref<10000x128xf32, #tpu.memory_space<hbm>>) target(%arg9 : memref<128x128xf32, #tpu.memory_space<vmem>>) offsets(%arg7 : memref<128xi32, #tpu.memory_space<vmem>>) semaphore(%arg11 : memref<!tpu.dma_semaphore, #tpu.memory_space<semaphore_mem>>)
        %dma_wait3A = arith.constant 0 : i32
        %dma_wait3A_19 = arith.constant 0 : i32
        %dma_wait3A_20 = tpu.memref_slice %arg2[%dma_wait3A, %dma_wait3A_19] : memref<10000x128xf32, #tpu.memory_space<hbm>> -> memref<10000x128xf32, #tpu.memory_space<hbm>>
        tpu.wait_indirect_dma semaphore(%arg11 : memref<!tpu.dma_semaphore, #tpu.memory_space<semaphore_mem>>) src(%dma_wait3A_20 : memref<10000x128xf32, #tpu.memory_space<hbm>>) dst(%arg9 : memref<128x128xf32, #tpu.memory_space<vmem>>)
        "tpu.region"() ({
          %run_scoped3A = tpu.sem_alloc : memref<!tpu.dma_semaphore, #tpu.memory_space<semaphore_mem>>
          %dma_start3A_21 = arith.constant 0 : i32
          %dma_start3A_22 = arith.constant 0 : i32
          %dma_start3A_23 = tpu.memref_slice %arg10[%dma_start3A_21, %dma_start3A_22] : memref<10112x128xf32, #tpu.memory_space<vmem_shared>> -> memref<10112x128xf32, #tpu.memory_space<vmem_shared>>
          tpu.enqueue_indirect_dma source(%arg9 : memref<128x128xf32, #tpu.memory_space<vmem>>) target(%dma_start3A_23 : memref<10112x128xf32, #tpu.memory_space<vmem_shared>>) offsets(%arg8 : memref<128xi32, #tpu.memory_space<vmem>>) semaphore(%run_scoped3A : memref<!tpu.dma_semaphore, #tpu.memory_space<semaphore_mem>>) {add = true}
          %dma_wait3A_24 = arith.constant 0 : i32
          %dma_wait3A_25 = arith.constant 0 : i32
          %dma_wait3A_26 = tpu.memref_slice %arg10[%dma_wait3A_24, %dma_wait3A_25] : memref<10112x128xf32, #tpu.memory_space<vmem_shared>> -> memref<10112x128xf32, #tpu.memory_space<vmem_shared>>
          tpu.wait_indirect_dma semaphore(%run_scoped3A : memref<!tpu.dma_semaphore, #tpu.memory_space<semaphore_mem>>) src(%arg9 : memref<128x128xf32, #tpu.memory_space<vmem>>) dst(%dma_wait3A_26 : memref<10112x128xf32, #tpu.memory_space<vmem_shared>>)
          tpu.yield
        }) : () -> ()
      } else {
      }
    }
    %scan3A_7 = arith.constant 79 : i32
    %barrier3A_8 = arith.constant 0 : index
    tpu.barrier barrier_id(%barrier3A_8)
    "tpu.region"() ({
      %run_scoped3A = tpu.sem_alloc : memref<!tpu.dma_semaphore, #tpu.memory_space<semaphore_mem>>
      %dma_start3A = arith.constant 0 : i32
      %dma_start3A_9 = tpu.memref_slice %arg6[%arg0, %mul3A_2, %dma_start3A] : memref<2x10112x128xf32, #tpu.memory_space<hbm>> -> memref<1x632x128xf32, #tpu.memory_space<hbm>>
      %dma_start3A_10 = tpu.memref_squeeze %dma_start3A_9 : memref<1x632x128xf32, #tpu.memory_space<hbm>> -> memref<632x128xf32, #tpu.memory_space<hbm>>
      %dma_start3A_11 = arith.constant 0 : i32
      %dma_start3A_12 = tpu.memref_slice %arg10[%mul3A_2, %dma_start3A_11] : memref<10112x128xf32, #tpu.memory_space<vmem_shared>> -> memref<632x128xf32, #tpu.memory_space<vmem_shared>>
      tpu.enqueue_dma source(%dma_start3A_12 : memref<632x128xf32, #tpu.memory_space<vmem_shared>>) target(%dma_start3A_10 : memref<632x128xf32, #tpu.memory_space<hbm>>) target_semaphore(%run_scoped3A : memref<!tpu.dma_semaphore, #tpu.memory_space<semaphore_mem>>)
      %dma_wait3A = arith.constant 0 : i32
      %dma_wait3A_13 = tpu.memref_slice %arg6[%arg0, %mul3A_2, %dma_wait3A] : memref<2x10112x128xf32, #tpu.memory_space<hbm>> -> memref<1x632x128xf32, #tpu.memory_space<hbm>>
      %dma_wait3A_14 = tpu.memref_squeeze %dma_wait3A_13 : memref<1x632x128xf32, #tpu.memory_space<hbm>> -> memref<632x128xf32, #tpu.memory_space<hbm>>
      %dma_wait3A_15 = arith.constant 0 : i32
      %dma_wait3A_16 = tpu.memref_slice %arg10[%mul3A_2, %dma_wait3A_15] : memref<10112x128xf32, #tpu.memory_space<vmem_shared>> -> memref<632x128xf32, #tpu.memory_space<vmem_shared>>
      tpu.wait_dma2 semaphore(%run_scoped3A : memref<!tpu.dma_semaphore, #tpu.memory_space<semaphore_mem>>) src(%dma_wait3A_16 : memref<632x128xf32, #tpu.memory_space<vmem_shared>>) dst(%dma_wait3A_14 : memref<632x128xf32, #tpu.memory_space<hbm>>)
      tpu.yield
    }) : () -> ()
    return
  }
}

module attributes {stable_mosaic.version = 14 : i64} {
  func.func @_entry_body(%arg0: i32, %arg1: memref<1000x128xf32, #tpu.memory_space<vmem>>, %arg2: memref<128x128xf32, #tpu.memory_space<vmem>>, %arg3: memref<1x128xf32, #tpu.memory_space<vmem>>, %arg4: memref<128x128xf32, #tpu.memory_space<vmem>>, %arg5: memref<1x128xf32, #tpu.memory_space<vmem>>, %arg6: memref<1000x128xf32, #tpu.memory_space<vmem>>, %arg7: memref<1000x128xf32, #tpu.memory_space<vmem>>) attributes {dimension_semantics = [#tpu.dimension_semantics<arbitrary>], iteration_bounds = array<i64: 10>, scalar_prefetch = 0 : i64, scratch_operands = 0 : i64, tpu.core_type = #tpu.core_type<tc>, window_params = [{transform_indices = @transform_0, window_bounds = array<i64: 1000, 128>}, {pipeline_mode = #tpu.pipeline_mode<synchronous>, transform_indices = @transform_1, window_bounds = array<i64: 128, 128>}, {pipeline_mode = #tpu.pipeline_mode<synchronous>, transform_indices = @transform_2, window_bounds = array<i64: 1, 128>}, {pipeline_mode = #tpu.pipeline_mode<synchronous>, transform_indices = @transform_3, window_bounds = array<i64: 128, 128>}, {pipeline_mode = #tpu.pipeline_mode<synchronous>, transform_indices = @transform_4, window_bounds = array<i64: 1, 128>}, {transform_indices = @transform_5, window_bounds = array<i64: 1000, 128>}, {transform_indices = @transform_6, window_bounds = array<i64: 1000, 128>}]} {
    %get3A = arith.constant 0 : index
    %get3A_0 = arith.constant 0 : index
    %get3A_1 = vector.load %arg1[%get3A, %get3A_0] : memref<1000x128xf32, #tpu.memory_space<vmem>>, vector<1000x128xf32>
    %get3A_2 = arith.constant 0 : index
    %get3A_3 = arith.constant 0 : index
    %get3A_4 = vector.load %arg2[%get3A_2, %get3A_3] : memref<128x128xf32, #tpu.memory_space<vmem>>, vector<128x128xf32>
    %dot_general3A = arith.constant dense<0.000000e+00> : vector<1000x128xf32>
    %dot_general3A_5 = tpu.matmul %get3A_1, %get3A_4, %dot_general3A {dimension_numbers = #tpu.dot_dimension_numbers<[1], [0], [0], [1], [0, 0, 1, 1], [], []>, transpose_lhs_hint = false} : vector<1000x128xf32>, vector<128x128xf32>, vector<1000x128xf32> -> vector<1000x128xf32>
    %get3A_6 = arith.constant 0 : index
    %get3A_7 = arith.constant 0 : index
    %get3A_8 = vector.load %arg3[%get3A_6, %get3A_7] : memref<1x128xf32, #tpu.memory_space<vmem>>, vector<1x128xf32>
    %add3A = vector.broadcast %get3A_8 : vector<1x128xf32> to vector<1000x128xf32>
    %add3A_9 = arith.addf %dot_general3A_5, %add3A : vector<1000x128xf32>
    %max3A = arith.constant 0.000000e+00 : f32
    %max3A_10 = vector.broadcast %max3A : f32 to vector<1000x128xf32>
    %max3A_11 = arith.maximumf %add3A_9, %max3A_10 : vector<1000x128xf32>
    %swap3A = arith.constant 0 : index
    %swap3A_12 = arith.constant 0 : index
    %swap3A_13 = vector.load %arg6[%swap3A, %swap3A_12] : memref<1000x128xf32, #tpu.memory_space<vmem>>, vector<1000x128xf32>
    tpu.vector_store %arg6[%swap3A, %swap3A_12], %max3A_11 {strides = array<i32>} : memref<1000x128xf32, #tpu.memory_space<vmem>>, vector<1000x128xf32>,
    %get3A_14 = arith.constant 0 : index
    %get3A_15 = arith.constant 0 : index
    %get3A_16 = vector.load %arg4[%get3A_14, %get3A_15] : memref<128x128xf32, #tpu.memory_space<vmem>>, vector<128x128xf32>
    %dot_general3A_17 = arith.constant dense<0.000000e+00> : vector<1000x128xf32>
    %dot_general3A_18 = tpu.matmul %max3A_11, %get3A_16, %dot_general3A_17 {dimension_numbers = #tpu.dot_dimension_numbers<[1], [0], [0], [1], [0, 0, 1, 1], [], []>, transpose_lhs_hint = false} : vector<1000x128xf32>, vector<128x128xf32>, vector<1000x128xf32> -> vector<1000x128xf32>
    %get3A_19 = arith.constant 0 : index
    %get3A_20 = arith.constant 0 : index
    %get3A_21 = vector.load %arg5[%get3A_19, %get3A_20] : memref<1x128xf32, #tpu.memory_space<vmem>>, vector<1x128xf32>
    %add3A_22 = vector.broadcast %get3A_21 : vector<1x128xf32> to vector<1000x128xf32>
    %add3A_23 = arith.addf %dot_general3A_18, %add3A_22 : vector<1000x128xf32>
    %max3A_24 = arith.constant 0.000000e+00 : f32
    %max3A_25 = vector.broadcast %max3A_24 : f32 to vector<1000x128xf32>
    %max3A_26 = arith.maximumf %add3A_23, %max3A_25 : vector<1000x128xf32>
    %swap3A_27 = arith.constant 0 : index
    %swap3A_28 = arith.constant 0 : index
    %swap3A_29 = vector.load %arg7[%swap3A_27, %swap3A_28] : memref<1000x128xf32, #tpu.memory_space<vmem>>, vector<1000x128xf32>
    tpu.vector_store %arg7[%swap3A_27, %swap3A_28], %max3A_26 {strides = array<i32>} : memref<1000x128xf32, #tpu.memory_space<vmem>>, vector<1000x128xf32>,
    return
  }
  func.func @transform_0(%arg0: i32) -> (i32, i32) {
    %c0_i32 = arith.constant 0 : i32
    %c0_i32_0 = arith.constant 0 : i32
    return %arg0, %c0_i32 : i32, i32
  }
  func.func @transform_1(%arg0: i32) -> (i32, i32) {
    %c0_i32 = arith.constant 0 : i32
    %c0_i32_0 = arith.constant 0 : i32
    %c0_i32_1 = arith.constant 0 : i32
    return %c0_i32, %c0_i32_0 : i32, i32
  }
  func.func @transform_2(%arg0: i32) -> (i32, i32) {
    %c0_i32 = arith.constant 0 : i32
    %c0_i32_0 = arith.constant 0 : i32
    %c0_i32_1 = arith.constant 0 : i32
    return %c0_i32, %c0_i32_0 : i32, i32
  }
  func.func @transform_3(%arg0: i32) -> (i32, i32) {
    %c0_i32 = arith.constant 0 : i32
    %c0_i32_0 = arith.constant 0 : i32
    %c0_i32_1 = arith.constant 0 : i32
    return %c0_i32, %c0_i32_0 : i32, i32
  }
  func.func @transform_4(%arg0: i32) -> (i32, i32) {
    %c0_i32 = arith.constant 0 : i32
    %c0_i32_0 = arith.constant 0 : i32
    %c0_i32_1 = arith.constant 0 : i32
    return %c0_i32, %c0_i32_0 : i32, i32
  }
  func.func @transform_5(%arg0: i32) -> (i32, i32) {
    %c0_i32 = arith.constant 0 : i32
    %c0_i32_0 = arith.constant 0 : i32
    return %arg0, %c0_i32 : i32, i32
  }
  func.func @transform_6(%arg0: i32) -> (i32, i32) {
    %c0_i32 = arith.constant 0 : i32
    %c0_i32_0 = arith.constant 0 : i32
    return %arg0, %c0_i32 : i32, i32
  }
}

module attributes {stable_mosaic.version = 14 : i64} {
  func.func @_round_body(%arg0: i32, %arg1: memref<1000x128xf32, #tpu.memory_space<vmem>>, %arg2: memref<1000x128xf32, #tpu.memory_space<vmem>>, %arg3: memref<1000x128xf32, #tpu.memory_space<vmem>>, %arg4: memref<128x128xf32, #tpu.memory_space<vmem>>, %arg5: memref<1x128xf32, #tpu.memory_space<vmem>>, %arg6: memref<128x128xf32, #tpu.memory_space<vmem>>, %arg7: memref<1x128xf32, #tpu.memory_space<vmem>>, %arg8: memref<1000x128xf32, #tpu.memory_space<vmem>>, %arg9: memref<1000x128xf32, #tpu.memory_space<vmem>>) attributes {dimension_semantics = [#tpu.dimension_semantics<arbitrary>], iteration_bounds = array<i64: 10>, scalar_prefetch = 0 : i64, scratch_operands = 0 : i64, tpu.core_type = #tpu.core_type<tc>, window_params = [{transform_indices = @transform_0, window_bounds = array<i64: 1000, 128>}, {transform_indices = @transform_1, window_bounds = array<i64: 1000, 128>}, {transform_indices = @transform_2, window_bounds = array<i64: 1000, 128>}, {pipeline_mode = #tpu.pipeline_mode<synchronous>, transform_indices = @transform_3, window_bounds = array<i64: 128, 128>}, {pipeline_mode = #tpu.pipeline_mode<synchronous>, transform_indices = @transform_4, window_bounds = array<i64: 1, 128>}, {pipeline_mode = #tpu.pipeline_mode<synchronous>, transform_indices = @transform_5, window_bounds = array<i64: 128, 128>}, {pipeline_mode = #tpu.pipeline_mode<synchronous>, transform_indices = @transform_6, window_bounds = array<i64: 1, 128>}, {transform_indices = @transform_7, window_bounds = array<i64: 1000, 128>}, {transform_indices = @transform_8, window_bounds = array<i64: 1000, 128>}]} {
    %get3A = arith.constant 0 : index
    %get3A_0 = arith.constant 0 : index
    %get3A_1 = vector.load %arg1[%get3A, %get3A_0] : memref<1000x128xf32, #tpu.memory_space<vmem>>, vector<1000x128xf32>
    %get3A_2 = arith.constant 0 : index
    %get3A_3 = arith.constant 0 : index
    %get3A_4 = vector.load %arg2[%get3A_2, %get3A_3] : memref<1000x128xf32, #tpu.memory_space<vmem>>, vector<1000x128xf32>
    %add3A = arith.addf %get3A_1, %get3A_4 : vector<1000x128xf32>
    %get3A_5 = arith.constant 0 : index
    %get3A_6 = arith.constant 0 : index
    %get3A_7 = vector.load %arg3[%get3A_5, %get3A_6] : memref<1000x128xf32, #tpu.memory_space<vmem>>, vector<1000x128xf32>
    %get3A_8 = arith.constant 0 : index
    %get3A_9 = arith.constant 0 : index
    %get3A_10 = vector.load %arg4[%get3A_8, %get3A_9] : memref<128x128xf32, #tpu.memory_space<vmem>>, vector<128x128xf32>
    %dot_general3A = arith.constant dense<0.000000e+00> : vector<1000x128xf32>
    %dot_general3A_11 = tpu.matmul %add3A, %get3A_10, %dot_general3A {dimension_numbers = #tpu.dot_dimension_numbers<[1], [0], [0], [1], [0, 0, 1, 1], [], []>, transpose_lhs_hint = false} : vector<1000x128xf32>, vector<128x128xf32>, vector<1000x128xf32> -> vector<1000x128xf32>
    %get3A_12 = arith.constant 0 : index
    %get3A_13 = arith.constant 0 : index
    %get3A_14 = vector.load %arg5[%get3A_12, %get3A_13] : memref<1x128xf32, #tpu.memory_space<vmem>>, vector<1x128xf32>
    %add3A_15 = vector.broadcast %get3A_14 : vector<1x128xf32> to vector<1000x128xf32>
    %add3A_16 = arith.addf %dot_general3A_11, %add3A_15 : vector<1000x128xf32>
    %max3A = arith.constant 0.000000e+00 : f32
    %max3A_17 = vector.broadcast %max3A : f32 to vector<1000x128xf32>
    %max3A_18 = arith.maximumf %add3A_16, %max3A_17 : vector<1000x128xf32>
    %add3A_19 = arith.addf %get3A_7, %max3A_18 : vector<1000x128xf32>
    %swap3A = arith.constant 0 : index
    %swap3A_20 = arith.constant 0 : index
    %swap3A_21 = vector.load %arg8[%swap3A, %swap3A_20] : memref<1000x128xf32, #tpu.memory_space<vmem>>, vector<1000x128xf32>
    tpu.vector_store %arg8[%swap3A, %swap3A_20], %add3A_19 {strides = array<i32>} : memref<1000x128xf32, #tpu.memory_space<vmem>>, vector<1000x128xf32>,
    %get3A_22 = arith.constant 0 : index
    %get3A_23 = arith.constant 0 : index
    %get3A_24 = vector.load %arg6[%get3A_22, %get3A_23] : memref<128x128xf32, #tpu.memory_space<vmem>>, vector<128x128xf32>
    %dot_general3A_25 = arith.constant dense<0.000000e+00> : vector<1000x128xf32>
    %dot_general3A_26 = tpu.matmul %add3A_19, %get3A_24, %dot_general3A_25 {dimension_numbers = #tpu.dot_dimension_numbers<[1], [0], [0], [1], [0, 0, 1, 1], [], []>, transpose_lhs_hint = false} : vector<1000x128xf32>, vector<128x128xf32>, vector<1000x128xf32> -> vector<1000x128xf32>
    %get3A_27 = arith.constant 0 : index
    %get3A_28 = arith.constant 0 : index
    %get3A_29 = vector.load %arg7[%get3A_27, %get3A_28] : memref<1x128xf32, #tpu.memory_space<vmem>>, vector<1x128xf32>
    %add3A_30 = vector.broadcast %get3A_29 : vector<1x128xf32> to vector<1000x128xf32>
    %add3A_31 = arith.addf %dot_general3A_26, %add3A_30 : vector<1000x128xf32>
    %max3A_32 = arith.constant 0.000000e+00 : f32
    %max3A_33 = vector.broadcast %max3A_32 : f32 to vector<1000x128xf32>
    %max3A_34 = arith.maximumf %add3A_31, %max3A_33 : vector<1000x128xf32>
    %swap3A_35 = arith.constant 0 : index
    %swap3A_36 = arith.constant 0 : index
    %swap3A_37 = vector.load %arg9[%swap3A_35, %swap3A_36] : memref<1000x128xf32, #tpu.memory_space<vmem>>, vector<1000x128xf32>
    tpu.vector_store %arg9[%swap3A_35, %swap3A_36], %max3A_34 {strides = array<i32>} : memref<1000x128xf32, #tpu.memory_space<vmem>>, vector<1000x128xf32>,
    return
  }
  func.func @transform_0(%arg0: i32) -> (i32, i32) {
    %c0_i32 = arith.constant 0 : i32
    %c0_i32_0 = arith.constant 0 : i32
    return %arg0, %c0_i32 : i32, i32
  }
  func.func @transform_1(%arg0: i32) -> (i32, i32) {
    %c0_i32 = arith.constant 0 : i32
    %c0_i32_0 = arith.constant 0 : i32
    return %arg0, %c0_i32 : i32, i32
  }
  func.func @transform_2(%arg0: i32) -> (i32, i32) {
    %c0_i32 = arith.constant 0 : i32
    %c0_i32_0 = arith.constant 0 : i32
    return %arg0, %c0_i32 : i32, i32
  }
  func.func @transform_3(%arg0: i32) -> (i32, i32) {
    %c0_i32 = arith.constant 0 : i32
    %c0_i32_0 = arith.constant 0 : i32
    %c0_i32_1 = arith.constant 0 : i32
    return %c0_i32, %c0_i32_0 : i32, i32
  }
  func.func @transform_4(%arg0: i32) -> (i32, i32) {
    %c0_i32 = arith.constant 0 : i32
    %c0_i32_0 = arith.constant 0 : i32
    %c0_i32_1 = arith.constant 0 : i32
    return %c0_i32, %c0_i32_0 : i32, i32
  }
  func.func @transform_5(%arg0: i32) -> (i32, i32) {
    %c0_i32 = arith.constant 0 : i32
    %c0_i32_0 = arith.constant 0 : i32
    %c0_i32_1 = arith.constant 0 : i32
    return %c0_i32, %c0_i32_0 : i32, i32
  }
  func.func @transform_6(%arg0: i32) -> (i32, i32) {
    %c0_i32 = arith.constant 0 : i32
    %c0_i32_0 = arith.constant 0 : i32
    %c0_i32_1 = arith.constant 0 : i32
    return %c0_i32, %c0_i32_0 : i32, i32
  }
  func.func @transform_7(%arg0: i32) -> (i32, i32) {
    %c0_i32 = arith.constant 0 : i32
    %c0_i32_0 = arith.constant 0 : i32
    return %arg0, %c0_i32 : i32, i32
  }
  func.func @transform_8(%arg0: i32) -> (i32, i32) {
    %c0_i32 = arith.constant 0 : i32
    %c0_i32_0 = arith.constant 0 : i32
    return %arg0, %c0_i32 : i32, i32
  }
}

module attributes {stable_mosaic.version = 14 : i64} {
  func.func @_final_body(%arg0: i32, %arg1: memref<1000x128xf32, #tpu.memory_space<vmem>>, %arg2: memref<1000x128xf32, #tpu.memory_space<vmem>>, %arg3: memref<1000x128xf32, #tpu.memory_space<vmem>>, %arg4: memref<128x128xf32, #tpu.memory_space<vmem>>, %arg5: memref<1x128xf32, #tpu.memory_space<vmem>>, %arg6: memref<128x64xf32, #tpu.memory_space<vmem>>, %arg7: memref<1x64xf32, #tpu.memory_space<vmem>>, %arg8: memref<128x64xf32, #tpu.memory_space<vmem>>, %arg9: memref<1x64xf32, #tpu.memory_space<vmem>>, %arg10: memref<1000x64xf32, #tpu.memory_space<vmem>>, %arg11: memref<1000x64xf32, #tpu.memory_space<vmem>>) attributes {dimension_semantics = [#tpu.dimension_semantics<arbitrary>], iteration_bounds = array<i64: 10>, scalar_prefetch = 0 : i64, scratch_operands = 0 : i64, tpu.core_type = #tpu.core_type<tc>, window_params = [{transform_indices = @transform_0, window_bounds = array<i64: 1000, 128>}, {transform_indices = @transform_1, window_bounds = array<i64: 1000, 128>}, {transform_indices = @transform_2, window_bounds = array<i64: 1000, 128>}, {pipeline_mode = #tpu.pipeline_mode<synchronous>, transform_indices = @transform_3, window_bounds = array<i64: 128, 128>}, {pipeline_mode = #tpu.pipeline_mode<synchronous>, transform_indices = @transform_4, window_bounds = array<i64: 1, 128>}, {pipeline_mode = #tpu.pipeline_mode<synchronous>, transform_indices = @transform_5, window_bounds = array<i64: 128, 64>}, {pipeline_mode = #tpu.pipeline_mode<synchronous>, transform_indices = @transform_6, window_bounds = array<i64: 1, 64>}, {pipeline_mode = #tpu.pipeline_mode<synchronous>, transform_indices = @transform_7, window_bounds = array<i64: 128, 64>}, {pipeline_mode = #tpu.pipeline_mode<synchronous>, transform_indices = @transform_8, window_bounds = array<i64: 1, 64>}, {transform_indices = @transform_9, window_bounds = array<i64: 1000, 64>}, {transform_indices = @transform_10, window_bounds = array<i64: 1000, 64>}]} {
    %get3A = arith.constant 0 : index
    %get3A_0 = arith.constant 0 : index
    %get3A_1 = vector.load %arg1[%get3A, %get3A_0] : memref<1000x128xf32, #tpu.memory_space<vmem>>, vector<1000x128xf32>
    %get3A_2 = arith.constant 0 : index
    %get3A_3 = arith.constant 0 : index
    %get3A_4 = vector.load %arg2[%get3A_2, %get3A_3] : memref<1000x128xf32, #tpu.memory_space<vmem>>, vector<1000x128xf32>
    %add3A = arith.addf %get3A_1, %get3A_4 : vector<1000x128xf32>
    %get3A_5 = arith.constant 0 : index
    %get3A_6 = arith.constant 0 : index
    %get3A_7 = vector.load %arg3[%get3A_5, %get3A_6] : memref<1000x128xf32, #tpu.memory_space<vmem>>, vector<1000x128xf32>
    %get3A_8 = arith.constant 0 : index
    %get3A_9 = arith.constant 0 : index
    %get3A_10 = vector.load %arg4[%get3A_8, %get3A_9] : memref<128x128xf32, #tpu.memory_space<vmem>>, vector<128x128xf32>
    %dot_general3A = arith.constant dense<0.000000e+00> : vector<1000x128xf32>
    %dot_general3A_11 = tpu.matmul %add3A, %get3A_10, %dot_general3A {dimension_numbers = #tpu.dot_dimension_numbers<[1], [0], [0], [1], [0, 0, 1, 1], [], []>, transpose_lhs_hint = false} : vector<1000x128xf32>, vector<128x128xf32>, vector<1000x128xf32> -> vector<1000x128xf32>
    %get3A_12 = arith.constant 0 : index
    %get3A_13 = arith.constant 0 : index
    %get3A_14 = vector.load %arg5[%get3A_12, %get3A_13] : memref<1x128xf32, #tpu.memory_space<vmem>>, vector<1x128xf32>
    %add3A_15 = vector.broadcast %get3A_14 : vector<1x128xf32> to vector<1000x128xf32>
    %add3A_16 = arith.addf %dot_general3A_11, %add3A_15 : vector<1000x128xf32>
    %max3A = arith.constant 0.000000e+00 : f32
    %max3A_17 = vector.broadcast %max3A : f32 to vector<1000x128xf32>
    %max3A_18 = arith.maximumf %add3A_16, %max3A_17 : vector<1000x128xf32>
    %add3A_19 = arith.addf %get3A_7, %max3A_18 : vector<1000x128xf32>
    %get3A_20 = arith.constant 0 : index
    %get3A_21 = arith.constant 0 : index
    %get3A_22 = vector.load %arg6[%get3A_20, %get3A_21] : memref<128x64xf32, #tpu.memory_space<vmem>>, vector<128x64xf32>
    %dot_general3A_23 = arith.constant dense<0.000000e+00> : vector<1000x64xf32>
    %dot_general3A_24 = tpu.matmul %add3A_19, %get3A_22, %dot_general3A_23 {dimension_numbers = #tpu.dot_dimension_numbers<[1], [0], [0], [1], [0, 0, 1, 1], [], []>, transpose_lhs_hint = false} : vector<1000x128xf32>, vector<128x64xf32>, vector<1000x64xf32> -> vector<1000x64xf32>
    %get3A_25 = arith.constant 0 : index
    %get3A_26 = arith.constant 0 : index
    %get3A_27 = vector.load %arg7[%get3A_25, %get3A_26] : memref<1x64xf32, #tpu.memory_space<vmem>>, vector<1x64xf32>
    %add3A_28 = vector.broadcast %get3A_27 : vector<1x64xf32> to vector<1000x64xf32>
    %add3A_29 = arith.addf %dot_general3A_24, %add3A_28 : vector<1000x64xf32>
    %swap3A = arith.constant 0 : index
    %swap3A_30 = arith.constant 0 : index
    %swap3A_31 = vector.load %arg10[%swap3A, %swap3A_30] : memref<1000x64xf32, #tpu.memory_space<vmem>>, vector<1000x64xf32>
    tpu.vector_store %arg10[%swap3A, %swap3A_30], %add3A_29 {strides = array<i32>} : memref<1000x64xf32, #tpu.memory_space<vmem>>, vector<1000x64xf32>,
    %get3A_32 = arith.constant 0 : index
    %get3A_33 = arith.constant 0 : index
    %get3A_34 = vector.load %arg8[%get3A_32, %get3A_33] : memref<128x64xf32, #tpu.memory_space<vmem>>, vector<128x64xf32>
    %dot_general3A_35 = arith.constant dense<0.000000e+00> : vector<1000x64xf32>
    %dot_general3A_36 = tpu.matmul %add3A_19, %get3A_34, %dot_general3A_35 {dimension_numbers = #tpu.dot_dimension_numbers<[1], [0], [0], [1], [0, 0, 1, 1], [], []>, transpose_lhs_hint = false} : vector<1000x128xf32>, vector<128x64xf32>, vector<1000x64xf32> -> vector<1000x64xf32>
    %get3A_37 = arith.constant 0 : index
    %get3A_38 = arith.constant 0 : index
    %get3A_39 = vector.load %arg9[%get3A_37, %get3A_38] : memref<1x64xf32, #tpu.memory_space<vmem>>, vector<1x64xf32>
    %add3A_40 = vector.broadcast %get3A_39 : vector<1x64xf32> to vector<1000x64xf32>
    %add3A_41 = arith.addf %dot_general3A_36, %add3A_40 : vector<1000x64xf32>
    %swap3A_42 = arith.constant 0 : index
    %swap3A_43 = arith.constant 0 : index
    %swap3A_44 = vector.load %arg11[%swap3A_42, %swap3A_43] : memref<1000x64xf32, #tpu.memory_space<vmem>>, vector<1000x64xf32>
    tpu.vector_store %arg11[%swap3A_42, %swap3A_43], %add3A_41 {strides = array<i32>} : memref<1000x64xf32, #tpu.memory_space<vmem>>, vector<1000x64xf32>,
    return
  }
  func.func @transform_0(%arg0: i32) -> (i32, i32) {
    %c0_i32 = arith.constant 0 : i32
    %c0_i32_0 = arith.constant 0 : i32
    return %arg0, %c0_i32 : i32, i32
  }
  func.func @transform_1(%arg0: i32) -> (i32, i32) {
    %c0_i32 = arith.constant 0 : i32
    %c0_i32_0 = arith.constant 0 : i32
    return %arg0, %c0_i32 : i32, i32
  }
  func.func @transform_2(%arg0: i32) -> (i32, i32) {
    %c0_i32 = arith.constant 0 : i32
    %c0_i32_0 = arith.constant 0 : i32
    return %arg0, %c0_i32 : i32, i32
  }
  func.func @transform_3(%arg0: i32) -> (i32, i32) {
    %c0_i32 = arith.constant 0 : i32
    %c0_i32_0 = arith.constant 0 : i32
    %c0_i32_1 = arith.constant 0 : i32
    return %c0_i32, %c0_i32_0 : i32, i32
  }
  func.func @transform_4(%arg0: i32) -> (i32, i32) {
    %c0_i32 = arith.constant 0 : i32
    %c0_i32_0 = arith.constant 0 : i32
    %c0_i32_1 = arith.constant 0 : i32
    return %c0_i32, %c0_i32_0 : i32, i32
  }
  func.func @transform_5(%arg0: i32) -> (i32, i32) {
    %c0_i32 = arith.constant 0 : i32
    %c0_i32_0 = arith.constant 0 : i32
    %c0_i32_1 = arith.constant 0 : i32
    return %c0_i32, %c0_i32_0 : i32, i32
  }
  func.func @transform_6(%arg0: i32) -> (i32, i32) {
    %c0_i32 = arith.constant 0 : i32
    %c0_i32_0 = arith.constant 0 : i32
    %c0_i32_1 = arith.constant 0 : i32
    return %c0_i32, %c0_i32_0 : i32, i32
  }
  func.func @transform_7(%arg0: i32) -> (i32, i32) {
    %c0_i32 = arith.constant 0 : i32
    %c0_i32_0 = arith.constant 0 : i32
    %c0_i32_1 = arith.constant 0 : i32
    return %c0_i32, %c0_i32_0 : i32, i32
  }
  func.func @transform_8(%arg0: i32) -> (i32, i32) {
    %c0_i32 = arith.constant 0 : i32
    %c0_i32_0 = arith.constant 0 : i32
    %c0_i32_1 = arith.constant 0 : i32
    return %c0_i32, %c0_i32_0 : i32, i32
  }
  func.func @transform_9(%arg0: i32) -> (i32, i32) {
    %c0_i32 = arith.constant 0 : i32
    %c0_i32_0 = arith.constant 0 : i32
    return %arg0, %c0_i32 : i32, i32
  }
  func.func @transform_10(%arg0: i32) -> (i32, i32) {
    %c0_i32 = arith.constant 0 : i32
    %c0_i32_0 = arith.constant 0 : i32
    return %arg0, %c0_i32 : i32, i32
  }
}

</mosaic_0001>

<sc_bundles>
// kernel: kernel.12.cloned.1.call-start
scs
__scs_entry_jumppad:
0x0: {  	(pc) =	sbr.rel $0x88, $3  }
0x1: {  	(tag) =	ssettag $0x0;
	lr =	simm.s32 $0x1  }
0x2: {  	[smem:$0x3F95] =	sst lr;
	_ =	strace $0xD0000000  }
0x3: {  	_ = 	snop  }
0x4: {  	_ = 	snop  }
0x5: {  	_ = 	snop  }
0x6: {  	_ = 	snop  }
0x7: {  	_ = 	snop  }
__scs_overlays_trampoline_lowered:
0x8: {  	[smem:$0x3FA4] =	sst s0  }
0x9: {  	[smem:$0x3FA5] =	sst s1  }
0xa: {  	[smem:$0x3FA6] =	sst s2  }
0xb: {  	[smem:$0x3FA7] =	sst s3  }
0xc: {  	[smem:$0x3FA8] =	sst s4  }
0xd: {  	[smem:$0x3FA9] =	sst s5  }
0xe: {  	[smem:$0x3FAA] =	sst s6  }
0xf: {  	[smem:$0x3FAB] =	sst s7  }
0x10: {  	[smem:$0x3FAC] =	sst s8  }
0x11: {  	[smem:$0x3FAD] =	sst s9;
	s0 =	simm.s32 @!p0 $0x0  }
0x12: {  	s1 =	sld [smem:$0x3F93];
	s0 =	simm.s32 @p0 $0x1  }
0x13: {  	[smem:$0x3FAE] =	sst s0;
	s0 =	simm.s32 @!p1 $0x0  }
0x14: {  	s2 =	sld [smem:$0x3F92];
	s0 =	simm.s32 @p1 $0x1  }
0x15: {  	[smem:$0x3FAF] =	sst s0;
	s0 =	simm.s32 @!p2 $0x0  }
0x16: {  	s3 =	sld [smem:$0x3FDB];
	s0 =	simm.s32 @p2 $0x1  }
0x17: {  	s4 =	simm.s32 $0x1BF5;
	[smem:$0x3FB1] =	sst s0  }
0x18: {  	s0 =	sld [smem:$0x3F94];
	_ =	swait.ge [sflag:s4], $0x0  }
0x19: {  	s7 =	sld [smem:$0x3F95]  }
0x1a: {  	s8 =	sadd.s32 $0xFFFFE003, lr  }
0x1b: {  	s9 =	sadd.s32 $0xFFFFFEF7, lr;
	s5 =	simm.s32 $0xFFFFFFFF;
	p2 =	slt.u32 s8, $0xFFFFF086  }
0x1c: {  	p1 =	slt.u32 s9, $0xF7A;
	s5 =	simm.s32 @!p2 $0x0  }
0x1d: {  	s5 =	simm.s32 @p1 $0x1;
	p0 =	seq.s32 s7, s2  }
0x1e: {  	s7 =	smul.u32 @!p0 $0xF7A, s2;
	p2 =	seq.s32 @!p0 s5, $0x0  }
0x1f: {  	s9 =	smul.u32 $0xF7A, s1;
	s8 =	simm.s32 @!p0 $0x1BF5;
	p2 =	por !p2, p0  }
0x20: {  	[sflag:s8] =	ssyncset.s32 @!p0 $0xFFFFF086;
	s6 =	sadd.s32 @!p0 s3, s7;
	s7 =	simm.s32 @!p0 $0x108  }
0x21: {  	s3 =	sadd.s32 s3, s9;
	s6 =	sadd.s32 @!p0 $0x88, s6;
	s7 =	simm.s32 @p2 $0x1082  }
0x22: {  	[simem:s7], [sflag:s8] =	dma.local @!p0 [hbm:s6], $0xF7A  }
0x23: {  	s9 =	sor.u32 $0xD0000000, s2;
	s6 =	simm.s32 $0x108;
	_ =	swait.ge @!p0 [sflag:s8], $0x0  }
0x24: {  	s3 =	sadd.s32 $0x88, s3;
	s6 =	simm.s32 @!p1 $0x1082;
	[sflag:s4] =	ssyncset.s32 $0xFFFFF086  }
0x25: {  	[simem:s6], [sflag:s4] =	dma.local [hbm:s3], $0xF7A  }
0x26: {  	[smem:$0x3F95] =	sst s1;
	(tag) =	ssettag s2;
	_ =	strace s9  }
0x27: {  	s1 =	sld [smem:$0x3FA5]  }
0x28: {  	s2 =	sld [smem:$0x3FA6]  }
0x29: {  	s4 =	sld [smem:$0x3FA8]  }
0x2a: {  	p0 =	seq.s32 s5, $0x0;
	s5 =	sld [smem:$0x3FA9]  }
0x2b: {  	s6 =	sld [smem:$0x3FAA]  }
0x2c: {  	s7 =	sld [smem:$0x3FAB]  }
0x2d: {  	s3 =	simm.s32 $0x108;
	s8 =	sld [smem:$0x3FAC]  }
0x2e: {  	s3 =	simm.s32 @!p0 $0x1082;
	s9 =	sld [smem:$0x3FAD]  }
0x2f: {  	lr =	sadd.s32 s0, s3;
	s0 =	sld [smem:$0x3FA4]  }
0x30: {  	s3 =	sld [smem:$0x3FA7]  }
0x31: {  	[smem:$0x3FB0] =	sst s10  }
0x32: {  	s10 =	sld [smem:$0x3FAE];
	_ =	sdelay $0x3  }
0x33: {  	p0 =	seq.s32 s10, $0x1;
	s10 =	sld [smem:$0x3FB0];
	_ =	sdelay $0x3  }
0x34: {  	[smem:$0x3FB0] =	sst s10  }
0x35: {  	s10 =	sld [smem:$0x3FAF];
	_ =	sdelay $0x3  }
0x36: {  	p1 =	seq.s32 s10, $0x1;
	s10 =	sld [smem:$0x3FB0];
	_ =	sdelay $0x3  }
0x37: {  	[smem:$0x3FB0] =	sst s10  }
0x38: {  	s10 =	sld [smem:$0x3FB1]  }
0x39: {  	_ = 	snop;
	(pc) =	sbr.ind lr, $3  }
0x3a: {  	_ = 	snop  }
0x3b: {  	_ = 	snop  }
0x3c: {  	p2 =	seq.s32 s10, $0x1;
	s10 =	sld [smem:$0x3FB0]  }
0x3d: {  	_ =	shalt  }
0x3e: {  	_ =	shalt  }
0x3f: {  	_ =	shalt  }
0x40: {  	_ =	shalt  }
0x41: {  	_ =	shalt  }
0x42: {  	_ =	shalt  }
0x43: {  	_ =	shalt  }
0x44: {  	_ =	shalt  }
0x45: {  	_ =	shalt  }
0x46: {  	_ =	shalt  }
0x47: {  	_ =	shalt  }
0x48: {  	_ =	shalt  }
0x49: {  	_ =	shalt  }
0x4a: {  	_ =	shalt  }
0x4b: {  	_ =	shalt  }
0x4c: {  	_ =	shalt  }
0x4d: {  	_ =	shalt  }
0x4e: {  	_ =	shalt  }
0x4f: {  	_ =	shalt  }
0x50: {  	_ =	shalt  }
0x51: {  	_ =	shalt  }
0x52: {  	_ =	shalt  }
0x53: {  	_ =	shalt  }
0x54: {  	_ =	shalt  }
0x55: {  	_ =	shalt  }
0x56: {  	_ =	shalt  }
0x57: {  	_ =	shalt  }
0x58: {  	_ =	shalt  }
0x59: {  	_ =	shalt  }
0x5a: {  	_ =	shalt  }
0x5b: {  	_ =	shalt  }
0x5c: {  	_ =	shalt  }
0x5d: {  	_ =	shalt  }
0x5e: {  	_ =	shalt  }
0x5f: {  	_ =	shalt  }
0x60: {  	_ =	shalt  }
0x61: {  	_ =	shalt  }
0x62: {  	_ =	shalt  }
0x63: {  	_ =	shalt  }
0x64: {  	_ =	shalt  }
0x65: {  	_ =	shalt  }
0x66: {  	_ =	shalt  }
0x67: {  	_ =	shalt  }
0x68: {  	_ =	shalt  }
0x69: {  	_ =	shalt  }
0x6a: {  	_ =	shalt  }
0x6b: {  	_ =	shalt  }
0x6c: {  	_ =	shalt  }
0x6d: {  	_ =	shalt  }
0x6e: {  	_ =	shalt  }
0x6f: {  	_ =	shalt  }
0x70: {  	_ =	shalt  }
0x71: {  	_ =	shalt  }
0x72: {  	_ =	shalt  }
0x73: {  	_ =	shalt  }
0x74: {  	_ =	shalt  }
0x75: {  	_ =	shalt  }
0x76: {  	_ =	shalt  }
0x77: {  	_ =	shalt  }
0x78: {  	_ =	shalt  }
0x79: {  	_ =	shalt  }
0x7a: {  	_ =	shalt  }
0x7b: {  	_ =	shalt  }
0x7c: {  	_ =	shalt  }
0x7d: {  	_ =	shalt  }
0x7e: {  	_ =	shalt  }
0x7f: {  	_ =	shalt  }
0x80: {  	_ =	shalt  }
0x81: {  	_ =	shalt  }
0x82: {  	_ =	shalt  }
0x83: {  	_ =	shalt  }
0x84: {  	_ =	shalt  }
0x85: {  	_ =	shalt  }
0x86: {  	_ =	shalt  }
0x87: {  	_ =	shalt  }
.Lfunc_end0:
.L_simem_size_0:
called_computation.1_lowered:
.L_overlay_start_0:
0x88: {  	s2 =	sld [smem:$0x3FD9]  }
0x89: {  	s3 =	sld [smem:$0x3FFE];
	_ =	sdelay $0x1  }
0x8a: {  	s1 =	srdreg.scid  }
0x8b: {  	s0 =	sand.u32 $0x1, s1  }
0x8c: {  	s14 =	sshll.u32 s0, $0xA;
	s2 =	sadd.s32 s3, s2  }
0x8d: {  	s2 =	sadd.s32 s2, s14  }
0x8e: {  	[smem:$0x3FBC] =	sst s2  }
0x8f: {  	_ = 	snop  }
0x90: {  	s2 =	sld [smem:$0x3FD0];
	_ =	sdelay $0x2  }
0x91: {  	s15 =	simm.s32 $0xA;
	s4 =	simm.s32 $0x10  }
0x92: {  	[smem:s4], [sflag:s15] =	dma.local [hbm:s2], $0x1  }
0x93: {  	_ =	swait.eq [sflag:s15], $0x1  }
0x94: {  	[sflag:s15] =	ssyncset.done $0x0  }
0x95: {  	s16 =	sld [smem:$0x10];
	[sflag:s15] =	ssyncadd.s32 $0xFFFFFFFF  }
0x96: {  	s17 =	sld [smem:$0x11];
	(tm) =	ssettm $0x1  }
0x97: {  	s18 =	sld [smem:$0x3FFB];
	_ =	sdelay $0x3  }
0x98: {  	_ =	strace s18  }
0x99: {  	s4 =	sld [smem:$0x3FFC];
	_ =	sdelay $0x3  }
0x9a: {  	_ =	strace s4  }
0x9b: {  	s4 =	sld [smem:$0x3FFD];
	_ =	sdelay $0x3  }
0x9c: {  	_ =	strace s4  }
0x9d: {  	_ =	strace $0x8FFFFFFF  }
0x9e: {  	s19 =	sld [smem:$0x3FDB];
	_ =	sdelay $0x1  }
0x9f: {  	s5 =	simm.s32 $_scs_section_size  }
0xa0: {  	s6 =	simm.s32 $_size__tile_overlayer_lowered;
	s7 =	simm.s32 $_tile_overlayer_lowered  }
0xa1: {  	s22 =	simm.s32 $0x1BFF;
	s21 =	sshll.u32 s7, $0x1;
	s4 =	sadd.s32 s5, s19  }
0xa2: {  	s8 =	simm.s32 $0x0;
	s20 =	sshll.u32 s6, $0x1;
	s6 =	sadd.s32 s21, s4  }
0xa3: {  	[timem:s8], [sflag:s22] =	dma.local [hbm:s6], s20  }
0xa4: {  	_ =	swait.ge [sflag:s22], s20  }
0xa5: {  	s5 =	ssub.s32 $0x0, s20;
	[sflag:s22] =	ssyncset.done $0x0  }
0xa6: {  	[sflag:s22] =	ssyncadd.s32 s5;
	_ =	sdelay $0x1  }
0xa7: {  	s23 =	simm.s32 $0x1B8B  }
0xa8: {  	_ =	swait.ge [sflag:s23], $0x1  }
0xa9: {  	[sflag:s23] =	ssyncset.done $0x0  }
0xaa: {  	s25 =	simm.s32 $0x1B8E;
	s24 =	sld [smem:$0x3FFE];
	[sflag:s23] =	ssyncadd.s32 $0xFFFFFFFF  }
0xab: {  	s26 =	simm.s32 $execute0_lowered;
	[smem:$0x3FD2] =	sst s25  }
0xac: {  	s6 =	sshll.u32 s26, $0x1;
	_ =	strace $0x80000049;
	[dreg:$0x1] =	wrdreg $0xFFFFFFFF  }
0xad: {  	s28 =	simm.s32 $_size_execute0_lowered;
	s4 =	sadd.s32 s4, s6;
	[dreg:$0x0] =	wrdreg $0x0  }
0xae: {  	s6 =	sshll.u32 s28, $0x1;
	[dreg:$0x2] =	wrdreg s4  }
0xaf: {  	[dreg:$0x3] =	wrdreg s6  }
0xb0: {  	[dreg:$0x4] =	wrdreg $0xC0  }
0xb1: {  	_ =	task [dreg:s8], $0x5FFFF  }
0xb2: {  	[dreg:$0x1] =	wrdreg $0xFFFFFFFF  }
0xb3: {  	[dreg:$0x0] =	wrdreg $0x60  }
0xb4: {  	[dreg:$0x2] =	wrdreg s24  }
0xb5: {  	[dreg:$0x3] =	wrdreg s16  }
0xb6: {  	[dreg:$0x4] =	wrdreg s17  }
0xb7: {  	[dreg:$0x5] =	wrdreg $0x41000  }
0xb8: {  	[dreg:$0x6] =	wrdreg $0x9  }
0xb9: {  	_ =	task.clear_ibuf [dreg:s8], $0x7FFFF;
	_ =	strace $0x90000049  }
0xba: {  	s29 =	simm.s32 $0x9;
	_ =	strace $0x8000004B  }
0xbb: {  	_ =	swait.ge [sflag:s29], $0x1  }
0xbc: {  	[sflag:s29] =	ssyncadd.s32 $0xFFFFFFFF  }
0xbd: {  	_ =	strace $0x9000004B  }
0xbe: {  	_ =	sfence  }
0xbf: {  	s30 =	sld [smem:$0x0];
	_ =	sdelay $0x2  }
0xc0: {  	s31 =	sshll.u32 s1, $0xD;
	s1 =	sshrl.u32 s1, $0x2  }
0xc1: {  	s3 =	sand.u32 $0x4000, s31;
	s1 =	sadd.s32 s1, s30  }
0xc2: {  	s0 =	sor.u32 s3, s0;
	s1 =	sshll.u32 s1, $0x11  }
0xc3: {  	s0 =	sor.u32 s1, s0  }
0xc4: {  	s0 =	sadd.s32 $0x8F2B, s0  }
0xc5: {  	[sflag:s0] =	ssyncadd.remote.s32 $0x1  }
0xc6: {  	_ =	sfence.sel $0xFFFF  }
0xc7: {  	[dreg:$0x0] =	wrdreg $0xFFFFFFFF;
	(pc) =	sbr.abs _section_cstart, $3  }
0xc8: {  	[dreg:$0x1] =	wrdreg $0xFFFFFFFF  }
0xc9: {  	_ =	task.clear_ibuf [dreg:s8], $0x2FFFF;
	_ =	strace $0x9FFFFFFF  }
0xca: {  	(tm) =	ssettm $0x7FFFFFFF  }
0xcb: {  	_ =	shalt  }
tec
execute0_lowered:
.L_overlay_start_1:
0x0: {  	(tag) =	ssettag $0x1  }
0x1: {  	s5 =	rddreg [dreg:$0x0]  }
0x2: {  	s11 =	rddreg [dreg:$0x1]  }
0x3: {  	s9 =	rddreg [dreg:$0x2]  }
0x4: {  	s2 =	rddreg [dreg:$0x3]  }
0x5: {  	s0 =	rddreg [dreg:$0x4];
	s1 =	stileid.u32  }
0x6: {  	s4 =	srdreg.scid;
	s3 =	simm.s32 $0x0;
	s6 =	smul.u32 $0x13C00, s1  }
0x7: {  	s10 =	sand.u32 $0x1, s4;
	[smem:$0x7FF] =	sst s3;
	s4 =	sadd.s32 $0x3200, s5  }
0x8: {  	s12 =	smul.u32 $0x4F000, s1;
	s30 =	sshll.u32 s1, $0x6;
	s15 =	sshll.u32 s1, $0x5  }
0x9: {  	s7 =	smul.u32 $0x13C000, s10;
	_ =	strace $0x8000004A;
	s28 =	ssub.s32 $0x2, s10  }
0xa: {  	s31 =	sadd.s32 s15, s9;
	s16 =	sshll.u32 s10, $0x4;
	s11 =	sadd.s32 s15, s11  }
0xb: {  	s8 =	sshrl.u32 s6, $0x3;
	s13 =	sshrl.u32 s28, $0x1;
	s29 =	sshrl.u32 s12, $0x2  }
0xc: {  	s10 =	sadd.s32 s16, s31;
	s11 =	sadd.s32 s16, s11;
	s6 =	sadd.s32 s6, s7  }
0xd: {  	s8 =	sadd.s32 s8, s5;
	s13 =	ssub.s32 s28, s13;
	s12 =	sadd.s32 s29, s2  }
0xe: {  	s7 =	sor.u32 $0x1C02, s30;
	s6 =	sshrl.u32 s6, $0x3;
	s9 =	smax.u32 s13, $0x1  }
0xf: {  	s12 =	sshrl.u32 s12, $0x3;
	s13 =	simm.s32 $0x2;
	s14 =	sadd.s32 s6, s5  }
0x10: {  	s5 =	sshll.u32 s1, $0x1;
	s6 =	sadd.s32 $0x2A400, s8;
	s8 =	sadd.s32 $0x51C00, s14  }
.LBB2_1:
0x11: {  	[spmem:s12], [sflag:s7] =	dma.local [hbm:s6], $0x2780  }
0x12: {  	_ =	swait.ge [sflag:s13], $0x2780  }
0x13: {  	p0 =	sgt.u32 s5, $0x9C3;
	[sflag:s13] =	ssyncset.done $0x0  }
0x14: {  	s14 =	sadd.s32 @!p0 $0x0, s11;
	[sflag:s13] =	ssyncadd.s32 $0xFFFFD880  }
0x15: {  	s15 =	simm.s32 @!p0 $0x0;
	s16 =	simm.s32 @!p0 $0x3;
	[bflag:$0x0] =	sbarrier.arrive $0xFFFF  }
0x16: {  	[tilespmem:s15], [sflag:$0x3] =	stream.linear.gather @!p0 [hbm4b:s14+s15], $0x80, $0x38;
	[tilespmem:$0x17D00] =	vst v63  }
0x17: {  	_ =	swait.ge @!p0 [sflag:s16], $0x80;
	p0 =	por p0, p0  }
0x18: {  	[sflag:s16] =	ssyncset.done @!p0 $0x0  }
0x19: {  	s14 =	sadd.s32 @!p0 $0x0, s10;
	s17 =	simm.s32 @!p0 $0x80;
	[sflag:s16] =	ssyncadd.s32 @!p0 $0xFFFFFF80  }
0x1a: {  	[tilespmem:s17], [sflag:$0x3] =	stream.linear.gather @!p0 [hbm4b:s14+s15], $0x80, $0x38;
	[tilespmem:$0x17D00] =	vst v63  }
0x1b: {  	_ =	swait.ge @!p0 [sflag:s16], $0x80  }
0x1c: {  	[sflag:s16] =	ssyncset.done @!p0 $0x0  }
0x1d: {  	s14 =	simm.s32 @!p0 $0x100;
	[sflag:s16] =	ssyncadd.s32 @!p0 $0xFFFFFF80;
	s16 =	simm.s32 @!p0 $0x1  }
0x1e: {  	[tilespmem:s14], [sflag:$0x1] =	stream.indirect.gather @!p0 [hbm4b:s4+s17], $0x80, s15, s17, $0xb8;
	[tilespmem:$0x17D00] =	vst v63  }
0x1f: {  	_ =	swait.ge @!p0 [sflag:s16], $0x4000  }
0x20: {  	[sflag:s16] =	ssyncset.done @!p0 $0x0  }
0x21: {  	s15 =	sadd.s32 $0x20, s5;
	[sflag:s16] =	ssyncadd.s32 @!p0 $0xFFFFC000  }
0x22: {  	[spmem:s2] =	stream.indirect.scatter.add.f32 @!p0 [tilespmem:s14], [sflag:$0x2], $0x80, s17, s17, $0xb8;
	[tilespmem:$0x17D00] =	vst v63  }
0x23: {  	p2 =	sgt.u32 s15, $0x9C3;
	s17 =	simm.s32 @!p0 $0x2  }
0x24: {  	s16 =	simm.s32 $0x400;
	s14 =	simm.s32 $0x200;
	_ =	swait.ge @!p0 [sflag:s17], $0x4000  }
.LBB2_2:
0x25: {  	s18 =	sadd.s32 @!p2 s14, s11  }
0x26: {  	s19 =	simm.s32 @!p2 $0x0;
	[sflag:s17] =	ssyncset.done @!p0 $0x0;
	s20 =	smov.u32 s16  }
0x27: {  	s16 =	sadd.s32 $0x200, s16;
	s21 =	simm.s32 @!p2 $0x3;
	[sflag:s17] =	ssyncadd.s32 @!p0 $0xFFFFC000  }
0x28: {  	[tilespmem:s19], [sflag:$0x3] =	stream.linear.gather @!p2 [hbm4b:s18+s19], $0x80, $0x38;
	[tilespmem:$0x17D00] =	vst v63  }
0x29: {  	p1 =	sne.s32 s16, $0x9E00;
	p0 =	por p2, p2;
	_ =	swait.ge @!p2 [sflag:s21], $0x80  }
0x2a: {  	[sflag:s21] =	ssyncset.done @!p0 $0x0  }
0x2b: {  	s14 =	sadd.s32 @!p0 s14, s10;
	s18 =	simm.s32 @!p0 $0x80;
	[sflag:s21] =	ssyncadd.s32 @!p0 $0xFFFFFF80  }
0x2c: {  	[tilespmem:s18], [sflag:$0x3] =	stream.linear.gather @!p0 [hbm4b:s14+s19], $0x80, $0x38;
	[tilespmem:$0x17D00] =	vst v63  }
0x2d: {  	s14 =	smov.u32 s20;
	_ =	swait.ge @!p0 [sflag:s21], $0x80  }
0x2e: {  	[sflag:s21] =	ssyncset.done @!p0 $0x0  }
0x2f: {  	s17 =	simm.s32 @!p0 $0x1;
	s20 =	simm.s32 @!p0 $0x100;
	[sflag:s21] =	ssyncadd.s32 @!p0 $0xFFFFFF80  }
0x30: {  	[tilespmem:s20], [sflag:$0x1] =	stream.indirect.gather @!p0 [hbm4b:s4+s18], $0x80, s19, s18, $0xb8;
	[tilespmem:$0x17D00] =	vst v63  }
.Ltmp0:
0x31: {  	_ =	swait.ge @!p0 [sflag:s17], $0x4000;
	(pc) =	sbr.rel @p1 .LBB2_2-.Ltmp0, $4  }
0x32: {  	[sflag:s17] =	ssyncset.done @!p0 $0x0  }
0x33: {  	s15 =	sadd.s32 $0x20, s15;
	[sflag:s17] =	ssyncadd.s32 @!p0 $0xFFFFC000;
	s17 =	simm.s32 @!p0 $0x2  }
0x34: {  	[spmem:s2] =	stream.indirect.scatter.add.f32 @!p0 [tilespmem:s20], [sflag:$0x2], $0x80, s18, s18, $0xb8;
	[tilespmem:$0x17D00] =	vst v63  }
0x35: {  	p2 =	sgt.u32 s15, $0x9C3;
	_ =	swait.ge @!p0 [sflag:s17], $0x4000  }
0x36: {  	s15 =	sadd.s32 @!p2 s14, s11;
	[sflag:s17] =	ssyncset.done @!p0 $0x0  }
0x37: {  	s16 =	simm.s32 @!p2 $0x0;
	s18 =	simm.s32 @!p2 $0x3;
	[sflag:s17] =	ssyncadd.s32 @!p0 $0xFFFFC000  }
0x38: {  	[tilespmem:s16], [sflag:$0x3] =	stream.linear.gather @!p2 [hbm4b:s15+s16], $0x80, $0x38;
	[tilespmem:$0x17D00] =	vst v63  }
0x39: {  	p0 =	por p2, p2;
	_ =	swait.ge @!p2 [sflag:s18], $0x80  }
0x3a: {  	[sflag:s18] =	ssyncset.done @!p0 $0x0  }
0x3b: {  	s14 =	sadd.s32 @!p0 s14, s10;
	s15 =	simm.s32 @!p0 $0x80;
	[sflag:s18] =	ssyncadd.s32 @!p0 $0xFFFFFF80  }
0x3c: {  	[tilespmem:s15], [sflag:$0x3] =	stream.linear.gather @!p0 [hbm4b:s14+s16], $0x80, $0x38;
	[tilespmem:$0x17D00] =	vst v63  }
0x3d: {  	_ =	swait.ge @!p0 [sflag:s18], $0x80  }
0x3e: {  	[sflag:s18] =	ssyncset.done @!p0 $0x0  }
0x3f: {  	s17 =	simm.s32 @!p0 $0x1;
	s14 =	simm.s32 @!p0 $0x100;
	[sflag:s18] =	ssyncadd.s32 @!p0 $0xFFFFFF80  }
0x40: {  	[tilespmem:s14], [sflag:$0x1] =	stream.indirect.gather @!p0 [hbm4b:s4+s15], $0x80, s16, s15, $0xb8;
	[tilespmem:$0x17D00] =	vst v63  }
0x41: {  	_ =	swait.ge @!p0 [sflag:s17], $0x4000  }
0x42: {  	[sflag:s17] =	ssyncset.done @!p0 $0x0  }
0x43: {  	s16 =	simm.s32 @!p0 $0x2;
	[sflag:s17] =	ssyncadd.s32 @!p0 $0xFFFFC000  }
0x44: {  	[spmem:s2] =	stream.indirect.scatter.add.f32 @!p0 [tilespmem:s14], [sflag:$0x2], $0x80, s15, s15, $0xb8;
	[tilespmem:$0x17D00] =	vst v63  }
0x45: {  	_ =	swait.ge @!p0 [sflag:s16], $0x4000  }
0x46: {  	s3 =	sadd.s32 $0x1, s3;
	[sflag:s16] =	ssyncset.done @!p0 $0x0  }
0x47: {  	[sflag:s16] =	ssyncadd.s32 @!p0 $0xFFFFC000;
	p0 =	sne.s32 s3, s9  }
.Ltmp1:
0x48: {  	[bflag:$0x0] =	sbarrier.arrive $0xFFFF;
	(pc) =	sbr.rel @p0 .LBB2_1-.Ltmp1, $4  }
0x49: {  	[hbm:s8], [sflag:s7] =	dma.local [spmem:s12], $0x2780  }
0x4a: {  	_ =	swait.ge [sflag:s13], $0x2780  }
0x4b: {  	[sflag:s13] =	ssyncset.done $0x0  }
0x4c: {  	[sflag:s13] =	ssyncadd.s32 $0xFFFFD880  }
0x4d: {  	_ =	sfence.sel $0x180000  }
0x4e: {  	[bflag:$0x0] =	sbarrier.arrive $0xFFFF  }
0x4f: {  	p0 =	sne.s32 s1, $0x0;
	_ =	strace $0x9000004A  }
0x50: {  	s0 =	sadd.s32 @!p0 $0x100000, s0;
	[bflag:$0x2] =	sbarrier.arrive $0xFFFF  }
0x51: {  	[sflag:s0] =	ssyncadd.tile.s32 @!p0 $0x1;
	_ =	shalt  }
.Lfunc_end2:
_tile_overlayer_lowered:
.L_overlay_start_2:
0x52: {  	(tag) =	ssettag $0x2  }
0x53: {  	s0 =	rddreg [dreg:$0x0];
	s2 =	stileid.u32  }
0x54: {  	s1 =	rddreg [dreg:$0x1];
	p0 =	sne.s32 s2, $0x0  }
0x55: {  	s3 =	rddreg [dreg:$0x2];
	[bflag:$0x3] =	sbarrier.arrive $0xFFFF;
	s2 =	simm.s32 @!p0 $0x1C02  }
0x56: {  	[timem:s3], [sflag:s2] =	dma.local @!p0 [hbm:s0], s1  }
0x57: {  	s0 =	simm.s32 @!p0 $0x2  }
0x58: {  	_ =	swait.ge @!p0 [sflag:s0], s1  }
0x59: {  	s1 =	ssub.s32 @!p0 $0x0, s1;
	[sflag:s0] =	ssyncset.done @!p0 $0x0  }
0x5a: {  	[sflag:s0] =	ssyncadd.s32 @!p0 s1  }
0x5b: {  	[bflag:$0x3] =	sbarrier.arrive $0xFFFF  }
0x5c: {  	_ =	shalt  }

// kernel: kernel.15.cloned.1.call-start
scs
__scs_entry_jumppad:
0x0: {  	(pc) =	sbr.rel $0x88, $3  }
0x1: {  	(tag) =	ssettag $0x0;
	lr =	simm.s32 $0x1  }
0x2: {  	[smem:$0x3F95] =	sst lr;
	_ =	strace $0xD0000000  }
0x3: {  	_ = 	snop  }
0x4: {  	_ = 	snop  }
0x5: {  	_ = 	snop  }
0x6: {  	_ = 	snop  }
0x7: {  	_ = 	snop  }
__scs_overlays_trampoline_lowered:
0x8: {  	[smem:$0x3FA4] =	sst s0  }
0x9: {  	[smem:$0x3FA5] =	sst s1  }
0xa: {  	[smem:$0x3FA6] =	sst s2  }
0xb: {  	[smem:$0x3FA7] =	sst s3  }
0xc: {  	[smem:$0x3FA8] =	sst s4  }
0xd: {  	[smem:$0x3FA9] =	sst s5  }
0xe: {  	[smem:$0x3FAA] =	sst s6  }
0xf: {  	[smem:$0x3FAB] =	sst s7  }
0x10: {  	[smem:$0x3FAC] =	sst s8  }
0x11: {  	[smem:$0x3FAD] =	sst s9;
	s0 =	simm.s32 @!p0 $0x0  }
0x12: {  	s1 =	sld [smem:$0x3F93];
	s0 =	simm.s32 @p0 $0x1  }
0x13: {  	[smem:$0x3FAE] =	sst s0;
	s0 =	simm.s32 @!p1 $0x0  }
0x14: {  	s2 =	sld [smem:$0x3F92];
	s0 =	simm.s32 @p1 $0x1  }
0x15: {  	[smem:$0x3FAF] =	sst s0;
	s0 =	simm.s32 @!p2 $0x0  }
0x16: {  	s3 =	sld [smem:$0x3FDB];
	s0 =	simm.s32 @p2 $0x1  }
0x17: {  	s4 =	simm.s32 $0x1BF5;
	[smem:$0x3FB1] =	sst s0  }
0x18: {  	s0 =	sld [smem:$0x3F94];
	_ =	swait.ge [sflag:s4], $0x0  }
0x19: {  	s7 =	sld [smem:$0x3F95]  }
0x1a: {  	s8 =	sadd.s32 $0xFFFFE003, lr  }
0x1b: {  	s9 =	sadd.s32 $0xFFFFFEF7, lr;
	s5 =	simm.s32 $0xFFFFFFFF;
	p2 =	slt.u32 s8, $0xFFFFF086  }
0x1c: {  	p1 =	slt.u32 s9, $0xF7A;
	s5 =	simm.s32 @!p2 $0x0  }
0x1d: {  	s5 =	simm.s32 @p1 $0x1;
	p0 =	seq.s32 s7, s2  }
0x1e: {  	s7 =	smul.u32 @!p0 $0xF7A, s2;
	p2 =	seq.s32 @!p0 s5, $0x0  }
0x1f: {  	s9 =	smul.u32 $0xF7A, s1;
	s8 =	simm.s32 @!p0 $0x1BF5;
	p2 =	por !p2, p0  }
0x20: {  	[sflag:s8] =	ssyncset.s32 @!p0 $0xFFFFF086;
	s6 =	sadd.s32 @!p0 s3, s7;
	s7 =	simm.s32 @!p0 $0x108  }
0x21: {  	s3 =	sadd.s32 s3, s9;
	s6 =	sadd.s32 @!p0 $0x88, s6;
	s7 =	simm.s32 @p2 $0x1082  }
0x22: {  	[simem:s7], [sflag:s8] =	dma.local @!p0 [hbm:s6], $0xF7A  }
0x23: {  	s9 =	sor.u32 $0xD0000000, s2;
	s6 =	simm.s32 $0x108;
	_ =	swait.ge @!p0 [sflag:s8], $0x0  }
0x24: {  	s3 =	sadd.s32 $0x88, s3;
	s6 =	simm.s32 @!p1 $0x1082;
	[sflag:s4] =	ssyncset.s32 $0xFFFFF086  }
0x25: {  	[simem:s6], [sflag:s4] =	dma.local [hbm:s3], $0xF7A  }
0x26: {  	[smem:$0x3F95] =	sst s1;
	(tag) =	ssettag s2;
	_ =	strace s9  }
0x27: {  	s1 =	sld [smem:$0x3FA5]  }
0x28: {  	s2 =	sld [smem:$0x3FA6]  }
0x29: {  	s4 =	sld [smem:$0x3FA8]  }
0x2a: {  	p0 =	seq.s32 s5, $0x0;
	s5 =	sld [smem:$0x3FA9]  }
0x2b: {  	s6 =	sld [smem:$0x3FAA]  }
0x2c: {  	s7 =	sld [smem:$0x3FAB]  }
0x2d: {  	s3 =	simm.s32 $0x108;
	s8 =	sld [smem:$0x3FAC]  }
0x2e: {  	s3 =	simm.s32 @!p0 $0x1082;
	s9 =	sld [smem:$0x3FAD]  }
0x2f: {  	lr =	sadd.s32 s0, s3;
	s0 =	sld [smem:$0x3FA4]  }
0x30: {  	s3 =	sld [smem:$0x3FA7]  }
0x31: {  	[smem:$0x3FB0] =	sst s10  }
0x32: {  	s10 =	sld [smem:$0x3FAE];
	_ =	sdelay $0x3  }
0x33: {  	p0 =	seq.s32 s10, $0x1;
	s10 =	sld [smem:$0x3FB0];
	_ =	sdelay $0x3  }
0x34: {  	[smem:$0x3FB0] =	sst s10  }
0x35: {  	s10 =	sld [smem:$0x3FAF];
	_ =	sdelay $0x3  }
0x36: {  	p1 =	seq.s32 s10, $0x1;
	s10 =	sld [smem:$0x3FB0];
	_ =	sdelay $0x3  }
0x37: {  	[smem:$0x3FB0] =	sst s10  }
0x38: {  	s10 =	sld [smem:$0x3FB1]  }
0x39: {  	_ = 	snop;
	(pc) =	sbr.ind lr, $3  }
0x3a: {  	_ = 	snop  }
0x3b: {  	_ = 	snop  }
0x3c: {  	p2 =	seq.s32 s10, $0x1;
	s10 =	sld [smem:$0x3FB0]  }
0x3d: {  	_ =	shalt  }
0x3e: {  	_ =	shalt  }
0x3f: {  	_ =	shalt  }
0x40: {  	_ =	shalt  }
0x41: {  	_ =	shalt  }
0x42: {  	_ =	shalt  }
0x43: {  	_ =	shalt  }
0x44: {  	_ =	shalt  }
0x45: {  	_ =	shalt  }
0x46: {  	_ =	shalt  }
0x47: {  	_ =	shalt  }
0x48: {  	_ =	shalt  }
0x49: {  	_ =	shalt  }
0x4a: {  	_ =	shalt  }
0x4b: {  	_ =	shalt  }
0x4c: {  	_ =	shalt  }
0x4d: {  	_ =	shalt  }
0x4e: {  	_ =	shalt  }
0x4f: {  	_ =	shalt  }
0x50: {  	_ =	shalt  }
0x51: {  	_ =	shalt  }
0x52: {  	_ =	shalt  }
0x53: {  	_ =	shalt  }
0x54: {  	_ =	shalt  }
0x55: {  	_ =	shalt  }
0x56: {  	_ =	shalt  }
0x57: {  	_ =	shalt  }
0x58: {  	_ =	shalt  }
0x59: {  	_ =	shalt  }
0x5a: {  	_ =	shalt  }
0x5b: {  	_ =	shalt  }
0x5c: {  	_ =	shalt  }
0x5d: {  	_ =	shalt  }
0x5e: {  	_ =	shalt  }
0x5f: {  	_ =	shalt  }
0x60: {  	_ =	shalt  }
0x61: {  	_ =	shalt  }
0x62: {  	_ =	shalt  }
0x63: {  	_ =	shalt  }
0x64: {  	_ =	shalt  }
0x65: {  	_ =	shalt  }
0x66: {  	_ =	shalt  }
0x67: {  	_ =	shalt  }
0x68: {  	_ =	shalt  }
0x69: {  	_ =	shalt  }
0x6a: {  	_ =	shalt  }
0x6b: {  	_ =	shalt  }
0x6c: {  	_ =	shalt  }
0x6d: {  	_ =	shalt  }
0x6e: {  	_ =	shalt  }
0x6f: {  	_ =	shalt  }
0x70: {  	_ =	shalt  }
0x71: {  	_ =	shalt  }
0x72: {  	_ =	shalt  }
0x73: {  	_ =	shalt  }
0x74: {  	_ =	shalt  }
0x75: {  	_ =	shalt  }
0x76: {  	_ =	shalt  }
0x77: {  	_ =	shalt  }
0x78: {  	_ =	shalt  }
0x79: {  	_ =	shalt  }
0x7a: {  	_ =	shalt  }
0x7b: {  	_ =	shalt  }
0x7c: {  	_ =	shalt  }
0x7d: {  	_ =	shalt  }
0x7e: {  	_ =	shalt  }
0x7f: {  	_ =	shalt  }
0x80: {  	_ =	shalt  }
0x81: {  	_ =	shalt  }
0x82: {  	_ =	shalt  }
0x83: {  	_ =	shalt  }
0x84: {  	_ =	shalt  }
0x85: {  	_ =	shalt  }
0x86: {  	_ =	shalt  }
0x87: {  	_ =	shalt  }
.Lfunc_end0:
.L_simem_size_0:
called_computation.2_lowered:
.L_overlay_start_0:
0x88: {  	s2 =	sld [smem:$0x3FD9]  }
0x89: {  	s3 =	sld [smem:$0x3FFE];
	_ =	sdelay $0x1  }
0x8a: {  	s1 =	srdreg.scid  }
0x8b: {  	s0 =	sand.u32 $0x1, s1  }
0x8c: {  	s14 =	sshll.u32 s0, $0xA;
	s2 =	sadd.s32 s3, s2  }
0x8d: {  	s2 =	sadd.s32 s2, s14  }
0x8e: {  	[smem:$0x3FBC] =	sst s2  }
0x8f: {  	_ = 	snop  }
0x90: {  	s2 =	sld [smem:$0x3FD0];
	_ =	sdelay $0x2  }
0x91: {  	s15 =	simm.s32 $0xA;
	s4 =	simm.s32 $0x10  }
0x92: {  	[smem:s4], [sflag:s15] =	dma.local [hbm:s2], $0x1  }
0x93: {  	_ =	swait.eq [sflag:s15], $0x1  }
0x94: {  	[sflag:s15] =	ssyncset.done $0x0  }
0x95: {  	s16 =	sld [smem:$0x10];
	[sflag:s15] =	ssyncadd.s32 $0xFFFFFFFF  }
0x96: {  	s17 =	sld [smem:$0x11];
	(tm) =	ssettm $0x1  }
0x97: {  	s18 =	sld [smem:$0x3FFB];
	_ =	sdelay $0x3  }
0x98: {  	_ =	strace s18  }
0x99: {  	s4 =	sld [smem:$0x3FFC];
	_ =	sdelay $0x3  }
0x9a: {  	_ =	strace s4  }
0x9b: {  	s4 =	sld [smem:$0x3FFD];
	_ =	sdelay $0x3  }
0x9c: {  	_ =	strace s4  }
0x9d: {  	_ =	strace $0x8FFFFFFF  }
0x9e: {  	s19 =	sld [smem:$0x3FDB];
	_ =	sdelay $0x1  }
0x9f: {  	s5 =	simm.s32 $_scs_section_size  }
0xa0: {  	s6 =	simm.s32 $_size__tile_overlayer_lowered;
	s7 =	simm.s32 $_tile_overlayer_lowered  }
0xa1: {  	s22 =	simm.s32 $0x1BFF;
	s21 =	sshll.u32 s7, $0x1;
	s4 =	sadd.s32 s5, s19  }
0xa2: {  	s8 =	simm.s32 $0x0;
	s20 =	sshll.u32 s6, $0x1;
	s6 =	sadd.s32 s21, s4  }
0xa3: {  	[timem:s8], [sflag:s22] =	dma.local [hbm:s6], s20  }
0xa4: {  	_ =	swait.ge [sflag:s22], s20  }
0xa5: {  	s5 =	ssub.s32 $0x0, s20;
	[sflag:s22] =	ssyncset.done $0x0  }
0xa6: {  	[sflag:s22] =	ssyncadd.s32 s5;
	_ =	sdelay $0x1  }
0xa7: {  	s23 =	simm.s32 $0x1B8B  }
0xa8: {  	_ =	swait.ge [sflag:s23], $0x1  }
0xa9: {  	[sflag:s23] =	ssyncset.done $0x0  }
0xaa: {  	s25 =	simm.s32 $0x1B8E;
	s24 =	sld [smem:$0x3FFE];
	[sflag:s23] =	ssyncadd.s32 $0xFFFFFFFF  }
0xab: {  	s26 =	simm.s32 $execute0_lowered;
	[smem:$0x3FD2] =	sst s25  }
0xac: {  	s6 =	sshll.u32 s26, $0x1;
	_ =	strace $0x8000004C;
	[dreg:$0x1] =	wrdreg $0xFFFFFFFF  }
0xad: {  	s28 =	simm.s32 $_size_execute0_lowered;
	s4 =	sadd.s32 s4, s6;
	[dreg:$0x0] =	wrdreg $0x0  }
0xae: {  	s6 =	sshll.u32 s28, $0x1;
	[dreg:$0x2] =	wrdreg s4  }
0xaf: {  	[dreg:$0x3] =	wrdreg s6  }
0xb0: {  	[dreg:$0x4] =	wrdreg $0xC0  }
0xb1: {  	_ =	task [dreg:s8], $0x5FFFF  }
0xb2: {  	[dreg:$0x1] =	wrdreg $0xFFFFFFFF  }
0xb3: {  	[dreg:$0x0] =	wrdreg $0x60  }
0xb4: {  	[dreg:$0x2] =	wrdreg s24  }
0xb5: {  	[dreg:$0x3] =	wrdreg s16  }
0xb6: {  	[dreg:$0x4] =	wrdreg s17  }
0xb7: {  	[dreg:$0x5] =	wrdreg $0x41000  }
0xb8: {  	[dreg:$0x6] =	wrdreg $0x9  }
0xb9: {  	_ =	task.clear_ibuf [dreg:s8], $0x7FFFF;
	_ =	strace $0x9000004C  }
0xba: {  	s29 =	simm.s32 $0x9;
	_ =	strace $0x8000004E  }
0xbb: {  	_ =	swait.ge [sflag:s29], $0x1  }
0xbc: {  	[sflag:s29] =	ssyncadd.s32 $0xFFFFFFFF  }
0xbd: {  	_ =	strace $0x9000004E  }
0xbe: {  	_ =	sfence  }
0xbf: {  	s30 =	sld [smem:$0x0];
	_ =	sdelay $0x2  }
0xc0: {  	s31 =	sshll.u32 s1, $0xD;
	s1 =	sshrl.u32 s1, $0x2  }
0xc1: {  	s3 =	sand.u32 $0x4000, s31;
	s1 =	sadd.s32 s1, s30  }
0xc2: {  	s0 =	sor.u32 s3, s0;
	s1 =	sshll.u32 s1, $0x11  }
0xc3: {  	s0 =	sor.u32 s1, s0  }
0xc4: {  	s0 =	sadd.s32 $0x8F2B, s0  }
0xc5: {  	[sflag:s0] =	ssyncadd.remote.s32 $0x1  }
0xc6: {  	_ =	sfence.sel $0xFFFF  }
0xc7: {  	[dreg:$0x0] =	wrdreg $0xFFFFFFFF;
	(pc) =	sbr.abs _section_cstart, $3  }
0xc8: {  	[dreg:$0x1] =	wrdreg $0xFFFFFFFF  }
0xc9: {  	_ =	task.clear_ibuf [dreg:s8], $0x2FFFF;
	_ =	strace $0x9FFFFFFF  }
0xca: {  	(tm) =	ssettm $0x7FFFFFFF  }
0xcb: {  	_ =	shalt  }
tec
execute0_lowered:
.L_overlay_start_1:
0x0: {  	(tag) =	ssettag $0x1  }
0x1: {  	s5 =	rddreg [dreg:$0x0]  }
0x2: {  	s11 =	rddreg [dreg:$0x1]  }
0x3: {  	s9 =	rddreg [dreg:$0x2]  }
0x4: {  	s2 =	rddreg [dreg:$0x3]  }
0x5: {  	s0 =	rddreg [dreg:$0x4];
	s1 =	stileid.u32  }
0x6: {  	s4 =	srdreg.scid;
	s3 =	simm.s32 $0x0;
	s6 =	smul.u32 $0x13C00, s1  }
0x7: {  	s10 =	sand.u32 $0x1, s4;
	[smem:$0x7FF] =	sst s3;
	s4 =	sadd.s32 $0x3200, s5  }
0x8: {  	s12 =	smul.u32 $0x4F000, s1;
	s30 =	sshll.u32 s1, $0x6;
	s15 =	sshll.u32 s1, $0x5  }
0x9: {  	s7 =	smul.u32 $0x13C000, s10;
	_ =	strace $0x8000004D;
	s28 =	ssub.s32 $0x2, s10  }
0xa: {  	s31 =	sadd.s32 s15, s9;
	s16 =	sshll.u32 s10, $0x4;
	s11 =	sadd.s32 s15, s11  }
0xb: {  	s8 =	sshrl.u32 s6, $0x3;
	s13 =	sshrl.u32 s28, $0x1;
	s29 =	sshrl.u32 s12, $0x2  }
0xc: {  	s10 =	sadd.s32 s16, s31;
	s11 =	sadd.s32 s16, s11;
	s6 =	sadd.s32 s6, s7  }
0xd: {  	s8 =	sadd.s32 s8, s5;
	s13 =	ssub.s32 s28, s13;
	s12 =	sadd.s32 s29, s2  }
0xe: {  	s7 =	sor.u32 $0x1C02, s30;
	s6 =	sshrl.u32 s6, $0x3;
	s9 =	smax.u32 s13, $0x1  }
0xf: {  	s12 =	sshrl.u32 s12, $0x3;
	s13 =	simm.s32 $0x2;
	s14 =	sadd.s32 s6, s5  }
0x10: {  	s5 =	sshll.u32 s1, $0x1;
	s6 =	sadd.s32 $0x2A400, s8;
	s8 =	sadd.s32 $0x51C00, s14  }
.LBB2_1:
0x11: {  	[spmem:s12], [sflag:s7] =	dma.local [hbm:s6], $0x2780  }
0x12: {  	_ =	swait.ge [sflag:s13], $0x2780  }
0x13: {  	p0 =	sgt.u32 s5, $0x9C3;
	[sflag:s13] =	ssyncset.done $0x0  }
0x14: {  	s14 =	sadd.s32 @!p0 $0x0, s11;
	[sflag:s13] =	ssyncadd.s32 $0xFFFFD880  }
0x15: {  	s15 =	simm.s32 @!p0 $0x0;
	s16 =	simm.s32 @!p0 $0x3;
	[bflag:$0x0] =	sbarrier.arrive $0xFFFF  }
0x16: {  	[tilespmem:s15], [sflag:$0x3] =	stream.linear.gather @!p0 [hbm4b:s14+s15], $0x80, $0x38;
	[tilespmem:$0x17D00] =	vst v63  }
0x17: {  	_ =	swait.ge @!p0 [sflag:s16], $0x80;
	p0 =	por p0, p0  }
0x18: {  	[sflag:s16] =	ssyncset.done @!p0 $0x0  }
0x19: {  	s14 =	sadd.s32 @!p0 $0x0, s10;
	s17 =	simm.s32 @!p0 $0x80;
	[sflag:s16] =	ssyncadd.s32 @!p0 $0xFFFFFF80  }
0x1a: {  	[tilespmem:s17], [sflag:$0x3] =	stream.linear.gather @!p0 [hbm4b:s14+s15], $0x80, $0x38;
	[tilespmem:$0x17D00] =	vst v63  }
0x1b: {  	_ =	swait.ge @!p0 [sflag:s16], $0x80  }
0x1c: {  	[sflag:s16] =	ssyncset.done @!p0 $0x0  }
0x1d: {  	s14 =	simm.s32 @!p0 $0x100;
	[sflag:s16] =	ssyncadd.s32 @!p0 $0xFFFFFF80;
	s16 =	simm.s32 @!p0 $0x1  }
0x1e: {  	[tilespmem:s14], [sflag:$0x1] =	stream.indirect.gather @!p0 [hbm4b:s4+s17], $0x80, s15, s17, $0xb8;
	[tilespmem:$0x17D00] =	vst v63  }
0x1f: {  	_ =	swait.ge @!p0 [sflag:s16], $0x4000  }
0x20: {  	[sflag:s16] =	ssyncset.done @!p0 $0x0  }
0x21: {  	s15 =	sadd.s32 $0x20, s5;
	[sflag:s16] =	ssyncadd.s32 @!p0 $0xFFFFC000  }
0x22: {  	[spmem:s2] =	stream.indirect.scatter.add.f32 @!p0 [tilespmem:s14], [sflag:$0x2], $0x80, s17, s17, $0xb8;
	[tilespmem:$0x17D00] =	vst v63  }
0x23: {  	p2 =	sgt.u32 s15, $0x9C3;
	s17 =	simm.s32 @!p0 $0x2  }
0x24: {  	s16 =	simm.s32 $0x400;
	s14 =	simm.s32 $0x200;
	_ =	swait.ge @!p0 [sflag:s17], $0x4000  }
.LBB2_2:
0x25: {  	s18 =	sadd.s32 @!p2 s14, s11  }
0x26: {  	s19 =	simm.s32 @!p2 $0x0;
	[sflag:s17] =	ssyncset.done @!p0 $0x0;
	s20 =	smov.u32 s16  }
0x27: {  	s16 =	sadd.s32 $0x200, s16;
	s21 =	simm.s32 @!p2 $0x3;
	[sflag:s17] =	ssyncadd.s32 @!p0 $0xFFFFC000  }
0x28: {  	[tilespmem:s19], [sflag:$0x3] =	stream.linear.gather @!p2 [hbm4b:s18+s19], $0x80, $0x38;
	[tilespmem:$0x17D00] =	vst v63  }
0x29: {  	p1 =	sne.s32 s16, $0x9E00;
	p0 =	por p2, p2;
	_ =	swait.ge @!p2 [sflag:s21], $0x80  }
0x2a: {  	[sflag:s21] =	ssyncset.done @!p0 $0x0  }
0x2b: {  	s14 =	sadd.s32 @!p0 s14, s10;
	s18 =	simm.s32 @!p0 $0x80;
	[sflag:s21] =	ssyncadd.s32 @!p0 $0xFFFFFF80  }
0x2c: {  	[tilespmem:s18], [sflag:$0x3] =	stream.linear.gather @!p0 [hbm4b:s14+s19], $0x80, $0x38;
	[tilespmem:$0x17D00] =	vst v63  }
0x2d: {  	s14 =	smov.u32 s20;
	_ =	swait.ge @!p0 [sflag:s21], $0x80  }
0x2e: {  	[sflag:s21] =	ssyncset.done @!p0 $0x0  }
0x2f: {  	s17 =	simm.s32 @!p0 $0x1;
	s20 =	simm.s32 @!p0 $0x100;
	[sflag:s21] =	ssyncadd.s32 @!p0 $0xFFFFFF80  }
0x30: {  	[tilespmem:s20], [sflag:$0x1] =	stream.indirect.gather @!p0 [hbm4b:s4+s18], $0x80, s19, s18, $0xb8;
	[tilespmem:$0x17D00] =	vst v63  }
.Ltmp0:
0x31: {  	_ =	swait.ge @!p0 [sflag:s17], $0x4000;
	(pc) =	sbr.rel @p1 .LBB2_2-.Ltmp0, $4  }
0x32: {  	[sflag:s17] =	ssyncset.done @!p0 $0x0  }
0x33: {  	s15 =	sadd.s32 $0x20, s15;
	[sflag:s17] =	ssyncadd.s32 @!p0 $0xFFFFC000;
	s17 =	simm.s32 @!p0 $0x2  }
0x34: {  	[spmem:s2] =	stream.indirect.scatter.add.f32 @!p0 [tilespmem:s20], [sflag:$0x2], $0x80, s18, s18, $0xb8;
	[tilespmem:$0x17D00] =	vst v63  }
0x35: {  	p2 =	sgt.u32 s15, $0x9C3;
	_ =	swait.ge @!p0 [sflag:s17], $0x4000  }
0x36: {  	s15 =	sadd.s32 @!p2 s14, s11;
	[sflag:s17] =	ssyncset.done @!p0 $0x0  }
0x37: {  	s16 =	simm.s32 @!p2 $0x0;
	s18 =	simm.s32 @!p2 $0x3;
	[sflag:s17] =	ssyncadd.s32 @!p0 $0xFFFFC000  }
0x38: {  	[tilespmem:s16], [sflag:$0x3] =	stream.linear.gather @!p2 [hbm4b:s15+s16], $0x80, $0x38;
	[tilespmem:$0x17D00] =	vst v63  }
0x39: {  	p0 =	por p2, p2;
	_ =	swait.ge @!p2 [sflag:s18], $0x80  }
0x3a: {  	[sflag:s18] =	ssyncset.done @!p0 $0x0  }
0x3b: {  	s14 =	sadd.s32 @!p0 s14, s10;
	s15 =	simm.s32 @!p0 $0x80;
	[sflag:s18] =	ssyncadd.s32 @!p0 $0xFFFFFF80  }
0x3c: {  	[tilespmem:s15], [sflag:$0x3] =	stream.linear.gather @!p0 [hbm4b:s14+s16], $0x80, $0x38;
	[tilespmem:$0x17D00] =	vst v63  }
0x3d: {  	_ =	swait.ge @!p0 [sflag:s18], $0x80  }
0x3e: {  	[sflag:s18] =	ssyncset.done @!p0 $0x0  }
0x3f: {  	s17 =	simm.s32 @!p0 $0x1;
	s14 =	simm.s32 @!p0 $0x100;
	[sflag:s18] =	ssyncadd.s32 @!p0 $0xFFFFFF80  }
0x40: {  	[tilespmem:s14], [sflag:$0x1] =	stream.indirect.gather @!p0 [hbm4b:s4+s15], $0x80, s16, s15, $0xb8;
	[tilespmem:$0x17D00] =	vst v63  }
0x41: {  	_ =	swait.ge @!p0 [sflag:s17], $0x4000  }
0x42: {  	[sflag:s17] =	ssyncset.done @!p0 $0x0  }
0x43: {  	s16 =	simm.s32 @!p0 $0x2;
	[sflag:s17] =	ssyncadd.s32 @!p0 $0xFFFFC000  }
0x44: {  	[spmem:s2] =	stream.indirect.scatter.add.f32 @!p0 [tilespmem:s14], [sflag:$0x2], $0x80, s15, s15, $0xb8;
	[tilespmem:$0x17D00] =	vst v63  }
0x45: {  	_ =	swait.ge @!p0 [sflag:s16], $0x4000  }
0x46: {  	s3 =	sadd.s32 $0x1, s3;
	[sflag:s16] =	ssyncset.done @!p0 $0x0  }
0x47: {  	[sflag:s16] =	ssyncadd.s32 @!p0 $0xFFFFC000;
	p0 =	sne.s32 s3, s9  }
.Ltmp1:
0x48: {  	[bflag:$0x0] =	sbarrier.arrive $0xFFFF;
	(pc) =	sbr.rel @p0 .LBB2_1-.Ltmp1, $4  }
0x49: {  	[hbm:s8], [sflag:s7] =	dma.local [spmem:s12], $0x2780  }
0x4a: {  	_ =	swait.ge [sflag:s13], $0x2780  }
0x4b: {  	[sflag:s13] =	ssyncset.done $0x0  }
0x4c: {  	[sflag:s13] =	ssyncadd.s32 $0xFFFFD880  }
0x4d: {  	_ =	sfence.sel $0x180000  }
0x4e: {  	[bflag:$0x0] =	sbarrier.arrive $0xFFFF  }
0x4f: {  	p0 =	sne.s32 s1, $0x0;
	_ =	strace $0x9000004D  }
0x50: {  	s0 =	sadd.s32 @!p0 $0x100000, s0;
	[bflag:$0x2] =	sbarrier.arrive $0xFFFF  }
0x51: {  	[sflag:s0] =	ssyncadd.tile.s32 @!p0 $0x1;
	_ =	shalt  }
.Lfunc_end2:
_tile_overlayer_lowered:
.L_overlay_start_2:
0x52: {  	(tag) =	ssettag $0x2  }
0x53: {  	s0 =	rddreg [dreg:$0x0];
	s2 =	stileid.u32  }
0x54: {  	s1 =	rddreg [dreg:$0x1];
	p0 =	sne.s32 s2, $0x0  }
0x55: {  	s3 =	rddreg [dreg:$0x2];
	[bflag:$0x3] =	sbarrier.arrive $0xFFFF;
	s2 =	simm.s32 @!p0 $0x1C02  }
0x56: {  	[timem:s3], [sflag:s2] =	dma.local @!p0 [hbm:s0], s1  }
0x57: {  	s0 =	simm.s32 @!p0 $0x2  }
0x58: {  	_ =	swait.ge @!p0 [sflag:s0], s1  }
0x59: {  	s1 =	ssub.s32 @!p0 $0x0, s1;
	[sflag:s0] =	ssyncset.done @!p0 $0x0  }
0x5a: {  	[sflag:s0] =	ssyncadd.s32 @!p0 s1  }
0x5b: {  	[bflag:$0x3] =	sbarrier.arrive $0xFFFF  }
0x5c: {  	_ =	shalt  }

// kernel: kernel.9.cloned.1.call-start
scs
__scs_entry_jumppad:
0x0: {  	(pc) =	sbr.rel $0x88, $3  }
0x1: {  	(tag) =	ssettag $0x0;
	lr =	simm.s32 $0x1  }
0x2: {  	[smem:$0x3F95] =	sst lr;
	_ =	strace $0xD0000000  }
0x3: {  	_ = 	snop  }
0x4: {  	_ = 	snop  }
0x5: {  	_ = 	snop  }
0x6: {  	_ = 	snop  }
0x7: {  	_ = 	snop  }
__scs_overlays_trampoline_lowered:
0x8: {  	[smem:$0x3FA4] =	sst s0  }
0x9: {  	[smem:$0x3FA5] =	sst s1  }
0xa: {  	[smem:$0x3FA6] =	sst s2  }
0xb: {  	[smem:$0x3FA7] =	sst s3  }
0xc: {  	[smem:$0x3FA8] =	sst s4  }
0xd: {  	[smem:$0x3FA9] =	sst s5  }
0xe: {  	[smem:$0x3FAA] =	sst s6  }
0xf: {  	[smem:$0x3FAB] =	sst s7  }
0x10: {  	[smem:$0x3FAC] =	sst s8  }
0x11: {  	[smem:$0x3FAD] =	sst s9;
	s0 =	simm.s32 @!p0 $0x0  }
0x12: {  	s1 =	sld [smem:$0x3F93];
	s0 =	simm.s32 @p0 $0x1  }
0x13: {  	[smem:$0x3FAE] =	sst s0;
	s0 =	simm.s32 @!p1 $0x0  }
0x14: {  	s2 =	sld [smem:$0x3F92];
	s0 =	simm.s32 @p1 $0x1  }
0x15: {  	[smem:$0x3FAF] =	sst s0;
	s0 =	simm.s32 @!p2 $0x0  }
0x16: {  	s3 =	sld [smem:$0x3FDB];
	s0 =	simm.s32 @p2 $0x1  }
0x17: {  	s4 =	simm.s32 $0x1BF5;
	[smem:$0x3FB1] =	sst s0  }
0x18: {  	s0 =	sld [smem:$0x3F94];
	_ =	swait.ge [sflag:s4], $0x0  }
0x19: {  	s7 =	sld [smem:$0x3F95]  }
0x1a: {  	s8 =	sadd.s32 $0xFFFFE003, lr  }
0x1b: {  	s9 =	sadd.s32 $0xFFFFFEF7, lr;
	s5 =	simm.s32 $0xFFFFFFFF;
	p2 =	slt.u32 s8, $0xFFFFF086  }
0x1c: {  	p1 =	slt.u32 s9, $0xF7A;
	s5 =	simm.s32 @!p2 $0x0  }
0x1d: {  	s5 =	simm.s32 @p1 $0x1;
	p0 =	seq.s32 s7, s2  }
0x1e: {  	s7 =	smul.u32 @!p0 $0xF7A, s2;
	p2 =	seq.s32 @!p0 s5, $0x0  }
0x1f: {  	s9 =	smul.u32 $0xF7A, s1;
	s8 =	simm.s32 @!p0 $0x1BF5;
	p2 =	por !p2, p0  }
0x20: {  	[sflag:s8] =	ssyncset.s32 @!p0 $0xFFFFF086;
	s6 =	sadd.s32 @!p0 s3, s7;
	s7 =	simm.s32 @!p0 $0x108  }
0x21: {  	s3 =	sadd.s32 s3, s9;
	s6 =	sadd.s32 @!p0 $0x88, s6;
	s7 =	simm.s32 @p2 $0x1082  }
0x22: {  	[simem:s7], [sflag:s8] =	dma.local @!p0 [hbm:s6], $0xF7A  }
0x23: {  	s9 =	sor.u32 $0xD0000000, s2;
	s6 =	simm.s32 $0x108;
	_ =	swait.ge @!p0 [sflag:s8], $0x0  }
0x24: {  	s3 =	sadd.s32 $0x88, s3;
	s6 =	simm.s32 @!p1 $0x1082;
	[sflag:s4] =	ssyncset.s32 $0xFFFFF086  }
0x25: {  	[simem:s6], [sflag:s4] =	dma.local [hbm:s3], $0xF7A  }
0x26: {  	[smem:$0x3F95] =	sst s1;
	(tag) =	ssettag s2;
	_ =	strace s9  }
0x27: {  	s1 =	sld [smem:$0x3FA5]  }
0x28: {  	s2 =	sld [smem:$0x3FA6]  }
0x29: {  	s4 =	sld [smem:$0x3FA8]  }
0x2a: {  	p0 =	seq.s32 s5, $0x0;
	s5 =	sld [smem:$0x3FA9]  }
0x2b: {  	s6 =	sld [smem:$0x3FAA]  }
0x2c: {  	s7 =	sld [smem:$0x3FAB]  }
0x2d: {  	s3 =	simm.s32 $0x108;
	s8 =	sld [smem:$0x3FAC]  }
0x2e: {  	s3 =	simm.s32 @!p0 $0x1082;
	s9 =	sld [smem:$0x3FAD]  }
0x2f: {  	lr =	sadd.s32 s0, s3;
	s0 =	sld [smem:$0x3FA4]  }
0x30: {  	s3 =	sld [smem:$0x3FA7]  }
0x31: {  	[smem:$0x3FB0] =	sst s10  }
0x32: {  	s10 =	sld [smem:$0x3FAE];
	_ =	sdelay $0x3  }
0x33: {  	p0 =	seq.s32 s10, $0x1;
	s10 =	sld [smem:$0x3FB0];
	_ =	sdelay $0x3  }
0x34: {  	[smem:$0x3FB0] =	sst s10  }
0x35: {  	s10 =	sld [smem:$0x3FAF];
	_ =	sdelay $0x3  }
0x36: {  	p1 =	seq.s32 s10, $0x1;
	s10 =	sld [smem:$0x3FB0];
	_ =	sdelay $0x3  }
0x37: {  	[smem:$0x3FB0] =	sst s10  }
0x38: {  	s10 =	sld [smem:$0x3FB1]  }
0x39: {  	_ = 	snop;
	(pc) =	sbr.ind lr, $3  }
0x3a: {  	_ = 	snop  }
0x3b: {  	_ = 	snop  }
0x3c: {  	p2 =	seq.s32 s10, $0x1;
	s10 =	sld [smem:$0x3FB0]  }
0x3d: {  	_ =	shalt  }
0x3e: {  	_ =	shalt  }
0x3f: {  	_ =	shalt  }
0x40: {  	_ =	shalt  }
0x41: {  	_ =	shalt  }
0x42: {  	_ =	shalt  }
0x43: {  	_ =	shalt  }
0x44: {  	_ =	shalt  }
0x45: {  	_ =	shalt  }
0x46: {  	_ =	shalt  }
0x47: {  	_ =	shalt  }
0x48: {  	_ =	shalt  }
0x49: {  	_ =	shalt  }
0x4a: {  	_ =	shalt  }
0x4b: {  	_ =	shalt  }
0x4c: {  	_ =	shalt  }
0x4d: {  	_ =	shalt  }
0x4e: {  	_ =	shalt  }
0x4f: {  	_ =	shalt  }
0x50: {  	_ =	shalt  }
0x51: {  	_ =	shalt  }
0x52: {  	_ =	shalt  }
0x53: {  	_ =	shalt  }
0x54: {  	_ =	shalt  }
0x55: {  	_ =	shalt  }
0x56: {  	_ =	shalt  }
0x57: {  	_ =	shalt  }
0x58: {  	_ =	shalt  }
0x59: {  	_ =	shalt  }
0x5a: {  	_ =	shalt  }
0x5b: {  	_ =	shalt  }
0x5c: {  	_ =	shalt  }
0x5d: {  	_ =	shalt  }
0x5e: {  	_ =	shalt  }
0x5f: {  	_ =	shalt  }
0x60: {  	_ =	shalt  }
0x61: {  	_ =	shalt  }
0x62: {  	_ =	shalt  }
0x63: {  	_ =	shalt  }
0x64: {  	_ =	shalt  }
0x65: {  	_ =	shalt  }
0x66: {  	_ =	shalt  }
0x67: {  	_ =	shalt  }
0x68: {  	_ =	shalt  }
0x69: {  	_ =	shalt  }
0x6a: {  	_ =	shalt  }
0x6b: {  	_ =	shalt  }
0x6c: {  	_ =	shalt  }
0x6d: {  	_ =	shalt  }
0x6e: {  	_ =	shalt  }
0x6f: {  	_ =	shalt  }
0x70: {  	_ =	shalt  }
0x71: {  	_ =	shalt  }
0x72: {  	_ =	shalt  }
0x73: {  	_ =	shalt  }
0x74: {  	_ =	shalt  }
0x75: {  	_ =	shalt  }
0x76: {  	_ =	shalt  }
0x77: {  	_ =	shalt  }
0x78: {  	_ =	shalt  }
0x79: {  	_ =	shalt  }
0x7a: {  	_ =	shalt  }
0x7b: {  	_ =	shalt  }
0x7c: {  	_ =	shalt  }
0x7d: {  	_ =	shalt  }
0x7e: {  	_ =	shalt  }
0x7f: {  	_ =	shalt  }
0x80: {  	_ =	shalt  }
0x81: {  	_ =	shalt  }
0x82: {  	_ =	shalt  }
0x83: {  	_ =	shalt  }
0x84: {  	_ =	shalt  }
0x85: {  	_ =	shalt  }
0x86: {  	_ =	shalt  }
0x87: {  	_ =	shalt  }
.Lfunc_end0:
.L_simem_size_0:
called_computation_lowered:
.L_overlay_start_0:
0x88: {  	s2 =	sld [smem:$0x3FD9]  }
0x89: {  	s3 =	sld [smem:$0x3FFE];
	_ =	sdelay $0x1  }
0x8a: {  	s1 =	srdreg.scid  }
0x8b: {  	s0 =	sand.u32 $0x1, s1  }
0x8c: {  	s14 =	sshll.u32 s0, $0xA;
	s2 =	sadd.s32 s3, s2  }
0x8d: {  	s2 =	sadd.s32 s2, s14  }
0x8e: {  	[smem:$0x3FBC] =	sst s2  }
0x8f: {  	_ = 	snop  }
0x90: {  	s2 =	sld [smem:$0x3FD0];
	_ =	sdelay $0x2  }
0x91: {  	s15 =	simm.s32 $0xA;
	s4 =	simm.s32 $0x10  }
0x92: {  	[smem:s4], [sflag:s15] =	dma.local [hbm:s2], $0x1  }
0x93: {  	_ =	swait.eq [sflag:s15], $0x1  }
0x94: {  	[sflag:s15] =	ssyncset.done $0x0  }
0x95: {  	s16 =	sld [smem:$0x10];
	[sflag:s15] =	ssyncadd.s32 $0xFFFFFFFF  }
0x96: {  	s17 =	sld [smem:$0x11];
	(tm) =	ssettm $0x1  }
0x97: {  	s18 =	sld [smem:$0x3FFB];
	_ =	sdelay $0x3  }
0x98: {  	_ =	strace s18  }
0x99: {  	s4 =	sld [smem:$0x3FFC];
	_ =	sdelay $0x3  }
0x9a: {  	_ =	strace s4  }
0x9b: {  	s4 =	sld [smem:$0x3FFD];
	_ =	sdelay $0x3  }
0x9c: {  	_ =	strace s4  }
0x9d: {  	_ =	strace $0x8FFFFFFF  }
0x9e: {  	s19 =	sld [smem:$0x3FDB];
	_ =	sdelay $0x1  }
0x9f: {  	s5 =	simm.s32 $_scs_section_size  }
0xa0: {  	s6 =	simm.s32 $_size__tile_overlayer_lowered;
	s7 =	simm.s32 $_tile_overlayer_lowered  }
0xa1: {  	s22 =	simm.s32 $0x1BFF;
	s21 =	sshll.u32 s7, $0x1;
	s4 =	sadd.s32 s5, s19  }
0xa2: {  	s8 =	simm.s32 $0x0;
	s20 =	sshll.u32 s6, $0x1;
	s6 =	sadd.s32 s21, s4  }
0xa3: {  	[timem:s8], [sflag:s22] =	dma.local [hbm:s6], s20  }
0xa4: {  	_ =	swait.ge [sflag:s22], s20  }
0xa5: {  	s5 =	ssub.s32 $0x0, s20;
	[sflag:s22] =	ssyncset.done $0x0  }
0xa6: {  	[sflag:s22] =	ssyncadd.s32 s5;
	_ =	sdelay $0x1  }
0xa7: {  	s23 =	simm.s32 $0x1B8B  }
0xa8: {  	_ =	swait.ge [sflag:s23], $0x1  }
0xa9: {  	[sflag:s23] =	ssyncset.done $0x0  }
0xaa: {  	s25 =	simm.s32 $0x1B8E;
	s24 =	sld [smem:$0x3FFE];
	[sflag:s23] =	ssyncadd.s32 $0xFFFFFFFF  }
0xab: {  	s26 =	simm.s32 $execute0_lowered;
	[smem:$0x3FD2] =	sst s25  }
0xac: {  	s6 =	sshll.u32 s26, $0x1;
	_ =	strace $0x80000046;
	[dreg:$0x1] =	wrdreg $0xFFFFFFFF  }
0xad: {  	s28 =	simm.s32 $_size_execute0_lowered;
	s4 =	sadd.s32 s4, s6;
	[dreg:$0x0] =	wrdreg $0x0  }
0xae: {  	s6 =	sshll.u32 s28, $0x1;
	[dreg:$0x2] =	wrdreg s4  }
0xaf: {  	[dreg:$0x3] =	wrdreg s6  }
0xb0: {  	[dreg:$0x4] =	wrdreg $0xC0  }
0xb1: {  	_ =	task [dreg:s8], $0x5FFFF  }
0xb2: {  	[dreg:$0x1] =	wrdreg $0xFFFFFFFF  }
0xb3: {  	[dreg:$0x0] =	wrdreg $0x60  }
0xb4: {  	[dreg:$0x2] =	wrdreg s24  }
0xb5: {  	[dreg:$0x3] =	wrdreg s16  }
0xb6: {  	[dreg:$0x4] =	wrdreg s17  }
0xb7: {  	[dreg:$0x5] =	wrdreg $0x41000  }
0xb8: {  	[dreg:$0x6] =	wrdreg $0x9  }
0xb9: {  	_ =	task.clear_ibuf [dreg:s8], $0x7FFFF;
	_ =	strace $0x90000046  }
0xba: {  	s29 =	simm.s32 $0x9;
	_ =	strace $0x80000048  }
0xbb: {  	_ =	swait.ge [sflag:s29], $0x1  }
0xbc: {  	[sflag:s29] =	ssyncadd.s32 $0xFFFFFFFF  }
0xbd: {  	_ =	strace $0x90000048  }
0xbe: {  	_ =	sfence  }
0xbf: {  	s30 =	sld [smem:$0x0];
	_ =	sdelay $0x2  }
0xc0: {  	s31 =	sshll.u32 s1, $0xD;
	s1 =	sshrl.u32 s1, $0x2  }
0xc1: {  	s3 =	sand.u32 $0x4000, s31;
	s1 =	sadd.s32 s1, s30  }
0xc2: {  	s0 =	sor.u32 s3, s0;
	s1 =	sshll.u32 s1, $0x11  }
0xc3: {  	s0 =	sor.u32 s1, s0  }
0xc4: {  	s0 =	sadd.s32 $0x8F2B, s0  }
0xc5: {  	[sflag:s0] =	ssyncadd.remote.s32 $0x1  }
0xc6: {  	_ =	sfence.sel $0xFFFF  }
0xc7: {  	[dreg:$0x0] =	wrdreg $0xFFFFFFFF;
	(pc) =	sbr.abs _section_cstart, $3  }
0xc8: {  	[dreg:$0x1] =	wrdreg $0xFFFFFFFF  }
0xc9: {  	_ =	task.clear_ibuf [dreg:s8], $0x2FFFF;
	_ =	strace $0x9FFFFFFF  }
0xca: {  	(tm) =	ssettm $0x7FFFFFFF  }
0xcb: {  	_ =	shalt  }
tec
execute0_lowered:
.L_overlay_start_1:
0x0: {  	(tag) =	ssettag $0x1  }
0x1: {  	s5 =	rddreg [dreg:$0x0]  }
0x2: {  	s11 =	rddreg [dreg:$0x1]  }
0x3: {  	s9 =	rddreg [dreg:$0x2]  }
0x4: {  	s2 =	rddreg [dreg:$0x3]  }
0x5: {  	s0 =	rddreg [dreg:$0x4];
	s1 =	stileid.u32  }
0x6: {  	s4 =	srdreg.scid;
	s3 =	simm.s32 $0x0;
	s6 =	smul.u32 $0x13C00, s1  }
0x7: {  	s10 =	sand.u32 $0x1, s4;
	[smem:$0x7FF] =	sst s3;
	s4 =	sadd.s32 $0x3200, s5  }
0x8: {  	s12 =	smul.u32 $0x4F000, s1;
	s30 =	sshll.u32 s1, $0x6;
	s15 =	sshll.u32 s1, $0x5  }
0x9: {  	s7 =	smul.u32 $0x13C000, s10;
	_ =	strace $0x80000047;
	s28 =	ssub.s32 $0x2, s10  }
0xa: {  	s31 =	sadd.s32 s15, s9;
	s16 =	sshll.u32 s10, $0x4;
	s11 =	sadd.s32 s15, s11  }
0xb: {  	s8 =	sshrl.u32 s6, $0x3;
	s13 =	sshrl.u32 s28, $0x1;
	s29 =	sshrl.u32 s12, $0x2  }
0xc: {  	s10 =	sadd.s32 s16, s31;
	s11 =	sadd.s32 s16, s11;
	s6 =	sadd.s32 s6, s7  }
0xd: {  	s8 =	sadd.s32 s8, s5;
	s13 =	ssub.s32 s28, s13;
	s12 =	sadd.s32 s29, s2  }
0xe: {  	s7 =	sor.u32 $0x1C02, s30;
	s6 =	sshrl.u32 s6, $0x3;
	s9 =	smax.u32 s13, $0x1  }
0xf: {  	s12 =	sshrl.u32 s12, $0x3;
	s13 =	simm.s32 $0x2;
	s14 =	sadd.s32 s6, s5  }
0x10: {  	s5 =	sshll.u32 s1, $0x1;
	s6 =	sadd.s32 $0x2A400, s8;
	s8 =	sadd.s32 $0x51C00, s14  }
.LBB2_1:
0x11: {  	[spmem:s12], [sflag:s7] =	dma.local [hbm:s6], $0x2780  }
0x12: {  	_ =	swait.ge [sflag:s13], $0x2780  }
0x13: {  	p0 =	sgt.u32 s5, $0x9C3;
	[sflag:s13] =	ssyncset.done $0x0  }
0x14: {  	s14 =	sadd.s32 @!p0 $0x0, s11;
	[sflag:s13] =	ssyncadd.s32 $0xFFFFD880  }
0x15: {  	s15 =	simm.s32 @!p0 $0x0;
	s16 =	simm.s32 @!p0 $0x3;
	[bflag:$0x0] =	sbarrier.arrive $0xFFFF  }
0x16: {  	[tilespmem:s15], [sflag:$0x3] =	stream.linear.gather @!p0 [hbm4b:s14+s15], $0x80, $0x38;
	[tilespmem:$0x17D00] =	vst v63  }
0x17: {  	_ =	swait.ge @!p0 [sflag:s16], $0x80;
	p0 =	por p0, p0  }
0x18: {  	[sflag:s16] =	ssyncset.done @!p0 $0x0  }
0x19: {  	s14 =	sadd.s32 @!p0 $0x0, s10;
	s17 =	simm.s32 @!p0 $0x80;
	[sflag:s16] =	ssyncadd.s32 @!p0 $0xFFFFFF80  }
0x1a: {  	[tilespmem:s17], [sflag:$0x3] =	stream.linear.gather @!p0 [hbm4b:s14+s15], $0x80, $0x38;
	[tilespmem:$0x17D00] =	vst v63  }
0x1b: {  	_ =	swait.ge @!p0 [sflag:s16], $0x80  }
0x1c: {  	[sflag:s16] =	ssyncset.done @!p0 $0x0  }
0x1d: {  	s14 =	simm.s32 @!p0 $0x100;
	[sflag:s16] =	ssyncadd.s32 @!p0 $0xFFFFFF80;
	s16 =	simm.s32 @!p0 $0x1  }
0x1e: {  	[tilespmem:s14], [sflag:$0x1] =	stream.indirect.gather @!p0 [hbm4b:s4+s17], $0x80, s15, s17, $0xb8;
	[tilespmem:$0x17D00] =	vst v63  }
0x1f: {  	_ =	swait.ge @!p0 [sflag:s16], $0x4000  }
0x20: {  	[sflag:s16] =	ssyncset.done @!p0 $0x0  }
0x21: {  	s15 =	sadd.s32 $0x20, s5;
	[sflag:s16] =	ssyncadd.s32 @!p0 $0xFFFFC000  }
0x22: {  	[spmem:s2] =	stream.indirect.scatter.add.f32 @!p0 [tilespmem:s14], [sflag:$0x2], $0x80, s17, s17, $0xb8;
	[tilespmem:$0x17D00] =	vst v63  }
0x23: {  	p2 =	sgt.u32 s15, $0x9C3;
	s17 =	simm.s32 @!p0 $0x2  }
0x24: {  	s16 =	simm.s32 $0x400;
	s14 =	simm.s32 $0x200;
	_ =	swait.ge @!p0 [sflag:s17], $0x4000  }
.LBB2_2:
0x25: {  	s18 =	sadd.s32 @!p2 s14, s11  }
0x26: {  	s19 =	simm.s32 @!p2 $0x0;
	[sflag:s17] =	ssyncset.done @!p0 $0x0;
	s20 =	smov.u32 s16  }
0x27: {  	s16 =	sadd.s32 $0x200, s16;
	s21 =	simm.s32 @!p2 $0x3;
	[sflag:s17] =	ssyncadd.s32 @!p0 $0xFFFFC000  }
0x28: {  	[tilespmem:s19], [sflag:$0x3] =	stream.linear.gather @!p2 [hbm4b:s18+s19], $0x80, $0x38;
	[tilespmem:$0x17D00] =	vst v63  }
0x29: {  	p1 =	sne.s32 s16, $0x9E00;
	p0 =	por p2, p2;
	_ =	swait.ge @!p2 [sflag:s21], $0x80  }
0x2a: {  	[sflag:s21] =	ssyncset.done @!p0 $0x0  }
0x2b: {  	s14 =	sadd.s32 @!p0 s14, s10;
	s18 =	simm.s32 @!p0 $0x80;
	[sflag:s21] =	ssyncadd.s32 @!p0 $0xFFFFFF80  }
0x2c: {  	[tilespmem:s18], [sflag:$0x3] =	stream.linear.gather @!p0 [hbm4b:s14+s19], $0x80, $0x38;
	[tilespmem:$0x17D00] =	vst v63  }
0x2d: {  	s14 =	smov.u32 s20;
	_ =	swait.ge @!p0 [sflag:s21], $0x80  }
0x2e: {  	[sflag:s21] =	ssyncset.done @!p0 $0x0  }
0x2f: {  	s17 =	simm.s32 @!p0 $0x1;
	s20 =	simm.s32 @!p0 $0x100;
	[sflag:s21] =	ssyncadd.s32 @!p0 $0xFFFFFF80  }
0x30: {  	[tilespmem:s20], [sflag:$0x1] =	stream.indirect.gather @!p0 [hbm4b:s4+s18], $0x80, s19, s18, $0xb8;
	[tilespmem:$0x17D00] =	vst v63  }
.Ltmp0:
0x31: {  	_ =	swait.ge @!p0 [sflag:s17], $0x4000;
	(pc) =	sbr.rel @p1 .LBB2_2-.Ltmp0, $4  }
0x32: {  	[sflag:s17] =	ssyncset.done @!p0 $0x0  }
0x33: {  	s15 =	sadd.s32 $0x20, s15;
	[sflag:s17] =	ssyncadd.s32 @!p0 $0xFFFFC000;
	s17 =	simm.s32 @!p0 $0x2  }
0x34: {  	[spmem:s2] =	stream.indirect.scatter.add.f32 @!p0 [tilespmem:s20], [sflag:$0x2], $0x80, s18, s18, $0xb8;
	[tilespmem:$0x17D00] =	vst v63  }
0x35: {  	p2 =	sgt.u32 s15, $0x9C3;
	_ =	swait.ge @!p0 [sflag:s17], $0x4000  }
0x36: {  	s15 =	sadd.s32 @!p2 s14, s11;
	[sflag:s17] =	ssyncset.done @!p0 $0x0  }
0x37: {  	s16 =	simm.s32 @!p2 $0x0;
	s18 =	simm.s32 @!p2 $0x3;
	[sflag:s17] =	ssyncadd.s32 @!p0 $0xFFFFC000  }
0x38: {  	[tilespmem:s16], [sflag:$0x3] =	stream.linear.gather @!p2 [hbm4b:s15+s16], $0x80, $0x38;
	[tilespmem:$0x17D00] =	vst v63  }
0x39: {  	p0 =	por p2, p2;
	_ =	swait.ge @!p2 [sflag:s18], $0x80  }
0x3a: {  	[sflag:s18] =	ssyncset.done @!p0 $0x0  }
0x3b: {  	s14 =	sadd.s32 @!p0 s14, s10;
	s15 =	simm.s32 @!p0 $0x80;
	[sflag:s18] =	ssyncadd.s32 @!p0 $0xFFFFFF80  }
0x3c: {  	[tilespmem:s15], [sflag:$0x3] =	stream.linear.gather @!p0 [hbm4b:s14+s16], $0x80, $0x38;
	[tilespmem:$0x17D00] =	vst v63  }
0x3d: {  	_ =	swait.ge @!p0 [sflag:s18], $0x80  }
0x3e: {  	[sflag:s18] =	ssyncset.done @!p0 $0x0  }
0x3f: {  	s17 =	simm.s32 @!p0 $0x1;
	s14 =	simm.s32 @!p0 $0x100;
	[sflag:s18] =	ssyncadd.s32 @!p0 $0xFFFFFF80  }
0x40: {  	[tilespmem:s14], [sflag:$0x1] =	stream.indirect.gather @!p0 [hbm4b:s4+s15], $0x80, s16, s15, $0xb8;
	[tilespmem:$0x17D00] =	vst v63  }
0x41: {  	_ =	swait.ge @!p0 [sflag:s17], $0x4000  }
0x42: {  	[sflag:s17] =	ssyncset.done @!p0 $0x0  }
0x43: {  	s16 =	simm.s32 @!p0 $0x2;
	[sflag:s17] =	ssyncadd.s32 @!p0 $0xFFFFC000  }
0x44: {  	[spmem:s2] =	stream.indirect.scatter.add.f32 @!p0 [tilespmem:s14], [sflag:$0x2], $0x80, s15, s15, $0xb8;
	[tilespmem:$0x17D00] =	vst v63  }
0x45: {  	_ =	swait.ge @!p0 [sflag:s16], $0x4000  }
0x46: {  	s3 =	sadd.s32 $0x1, s3;
	[sflag:s16] =	ssyncset.done @!p0 $0x0  }
0x47: {  	[sflag:s16] =	ssyncadd.s32 @!p0 $0xFFFFC000;
	p0 =	sne.s32 s3, s9  }
.Ltmp1:
0x48: {  	[bflag:$0x0] =	sbarrier.arrive $0xFFFF;
	(pc) =	sbr.rel @p0 .LBB2_1-.Ltmp1, $4  }
0x49: {  	[hbm:s8], [sflag:s7] =	dma.local [spmem:s12], $0x2780  }
0x4a: {  	_ =	swait.ge [sflag:s13], $0x2780  }
0x4b: {  	[sflag:s13] =	ssyncset.done $0x0  }
0x4c: {  	[sflag:s13] =	ssyncadd.s32 $0xFFFFD880  }
0x4d: {  	_ =	sfence.sel $0x180000  }
0x4e: {  	[bflag:$0x0] =	sbarrier.arrive $0xFFFF  }
0x4f: {  	p0 =	sne.s32 s1, $0x0;
	_ =	strace $0x90000047  }
0x50: {  	s0 =	sadd.s32 @!p0 $0x100000, s0;
	[bflag:$0x2] =	sbarrier.arrive $0xFFFF  }
0x51: {  	[sflag:s0] =	ssyncadd.tile.s32 @!p0 $0x1;
	_ =	shalt  }
.Lfunc_end2:
_tile_overlayer_lowered:
.L_overlay_start_2:
0x52: {  	(tag) =	ssettag $0x2  }
0x53: {  	s0 =	rddreg [dreg:$0x0];
	s2 =	stileid.u32  }
0x54: {  	s1 =	rddreg [dreg:$0x1];
	p0 =	sne.s32 s2, $0x0  }
0x55: {  	s3 =	rddreg [dreg:$0x2];
	[bflag:$0x3] =	sbarrier.arrive $0xFFFF;
	s2 =	simm.s32 @!p0 $0x1C02  }
0x56: {  	[timem:s3], [sflag:s2] =	dma.local @!p0 [hbm:s0], s1  }
0x57: {  	s0 =	simm.s32 @!p0 $0x2  }
0x58: {  	_ =	swait.ge @!p0 [sflag:s0], s1  }
0x59: {  	s1 =	ssub.s32 @!p0 $0x0, s1;
	[sflag:s0] =	ssyncset.done @!p0 $0x0  }
0x5a: {  	[sflag:s0] =	ssyncadd.s32 @!p0 s1  }
0x5b: {  	[bflag:$0x3] =	sbarrier.arrive $0xFFFF  }
0x5c: {  	_ =	shalt  }

</sc_bundles>
